<compile_context>
chip_gen: v7x
topology: tpu7x:2x2x1
jax: 0.10.2.dev20260603
libtpu: 0.0.44.dev20260713+nightly
codegen_flags: <defaults>
</compile_context>

<pallas_src>
import math

import jax
import jax.numpy as jnp
from jax import lax
from jax.experimental import pallas as pl
from jax.experimental.pallas import tpu as pltpu
from jax.experimental.pallas import tpu_sc as plsc
import functools


def _sc_state_gather(table, gidx):
    B, D = table.shape
    info = plsc.get_sparse_core_info()
    NC, NS = info.num_cores, info.num_subcores
    NW = NC * NS
    b_per_w = B // NW
    mesh = plsc.VectorSubcoreMesh(core_axis_name="c", subcore_axis_name="s")

    @functools.partial(
        pl.kernel, mesh=mesh,
        out_type=jax.ShapeDtypeStruct((B, D), jnp.float32),
        scratch_types=[
            pltpu.VMEM((b_per_w,), jnp.int32),
            pltpu.VMEM((b_per_w, D), jnp.float32),
            pltpu.SemaphoreType.DMA,
        ],
    )
    def gather_rows(table_hbm, idx_hbm, out_hbm, idx_v, rows_v, sem):
        wid = lax.axis_index("s") * NC + lax.axis_index("c")
        base = wid * b_per_w
        pltpu.sync_copy(idx_hbm.at[pl.ds(base, b_per_w)], idx_v)
        pltpu.async_copy(table_hbm.at[idx_v], rows_v, sem).wait()
        pltpu.sync_copy(rows_v, out_hbm.at[pl.ds(base, b_per_w)])

    return gather_rows(table, gidx)

_END = 2
_LANES = 128


def _body(cur_ref, pcol_ref, ecol_ref, erow_ref, dec_ref,
          outp_ref, outv_ref, oute_ref, outd_ref, outg_ref,
          m_s, fi_s):
    beam, V = cur_ref.shape[1], cur_ref.shape[2]
    nchunk = V // _LANES
    x = cur_ref[0]
    pcol = pcol_ref[0]
    ecol = ecol_ref[0]
    erow = erow_ref[0]
    dec = dec_ref[0].astype(jnp.float32)
    prog = pl.program_id(0)

    neg = jnp.float32(-jnp.inf)
    BIG = jnp.int32(1 << 30)

    s = jnp.sum(jnp.exp(x), axis=-1, keepdims=True)
    c = pcol - jnp.log(s)

    x3 = x.reshape(beam, nchunk, _LANES)
    ch = lax.broadcasted_iota(jnp.int32, (beam, nchunk, _LANES), 1)

    m1 = jnp.max(x3, axis=1)
    a1 = jnp.min(jnp.where(x3 == m1[:, None, :], ch, BIG), axis=1)
    x3m = jnp.where(ch == a1[:, None, :], neg, x3)
    m2 = jnp.max(x3m, axis=1)
    a2 = jnp.min(jnp.where(x3m == m2[:, None, :], ch, BIG), axis=1)

    bsub = lax.broadcasted_iota(jnp.int32, (beam, _LANES), 0)
    lane = lax.broadcasted_iota(jnp.int32, (beam, _LANES), 1)
    base = bsub * V + lane
    h1 = m1 + c
    f1 = base + a1 * _LANES
    h2 = m2 + c
    f2 = base + a2 * _LANES

    endm = ecol > 0
    e_lane = lane == (_END % _LANES)
    e_flat = bsub * V + _END
    h1 = jnp.where(endm, jnp.where(e_lane, pcol, neg), h1)
    f1 = jnp.where(endm, jnp.where(e_lane, e_flat, BIG), f1)
    h2 = jnp.where(endm, neg, h2)
    f2 = jnp.where(endm, BIG, f2)

    t_cnt = jnp.zeros((beam, _LANES), jnp.int32)
    danger = neg
    deg = jnp.bool_(False)

    l8 = lax.broadcasted_iota(jnp.int32, (1, beam), 1)
    sub8 = lax.broadcasted_iota(jnp.int32, (beam, beam), 0)
    lan8 = lax.broadcasted_iota(jnp.int32, (beam, beam), 1)
    val_row = jnp.zeros((1, beam), jnp.float32)
    voc_row = jnp.zeros((1, beam), jnp.int32)
    g_row = jnp.zeros((1, beam), jnp.int32)
    W = jnp.zeros((beam, beam), jnp.float32)
    vlog2 = int(math.log2(V))
    removed = []

    for k in range(beam):
        m_fast = jnp.max(h1)
        safe = jnp.logical_and(jnp.logical_not(deg), m_fast > danger)

        @pl.when(safe)
        def _(h1=h1, f1=f1, m_fast=m_fast):
            fi_f = jnp.min(jnp.where(h1 == m_fast, f1, BIG))
            m_s[0] = m_fast
            fi_s[0] = fi_f

        @pl.when(jnp.logical_not(safe))
        def _(removed=tuple(removed)):
            f3 = lax.broadcasted_iota(jnp.int32, (beam, nchunk, _LANES), 0) * V \
                + lax.broadcasted_iota(jnp.int32, (beam, nchunk, _LANES), 1) * _LANES \
                + lax.broadcasted_iota(jnp.int32, (beam, nchunk, _LANES), 2)
            t3 = x3 + c[:, None]
            e3 = endm[:, :, None]
            bflat = lax.broadcasted_iota(jnp.int32, (beam, 1, 1), 0) * V + _END
            t3 = jnp.where(e3, jnp.where(f3 == bflat, pcol[:, None], neg), t3)
            rm = jnp.zeros((beam, nchunk, _LANES), jnp.bool_)
            for r in removed:
                rm = jnp.logical_or(rm, f3 == r)
            t3 = jnp.where(rm, neg, t3)
            m_slow = jnp.max(t3)
            fi_slow = jnp.min(jnp.where(t3 == m_slow, f3, BIG))
            m_s[0] = m_slow
            fi_s[0] = fi_slow

        m = m_s[0]
        fi = fi_s[0]
        removed.append(fi)

        colm = f1 == fi
        second_pop = jnp.any(jnp.logical_and(colm, t_cnt == 1))
        danger = jnp.where(jnp.logical_and(safe, second_pop),
                           jnp.maximum(danger, m), danger)
        t_cnt = t_cnt + colm.astype(jnp.int32)
        h1 = jnp.where(colm, h2, h1)
        f1 = jnp.where(colm, f2, f1)
        h2 = jnp.where(colm, neg, h2)
        f2 = jnp.where(colm, BIG, f2)
        deg = jnp.logical_or(deg, jnp.logical_not(safe))

        vk = fi & (V - 1) if (1 << vlog2) == V else fi % V
        bk = lax.shift_right_logical(fi, vlog2) if (1 << vlog2) == V else fi // V
        val_row = jnp.where(l8 == k, m, val_row)
        voc_row = jnp.where(l8 == k, vk, voc_row)
        g_row = jnp.where(l8 == k, prog * beam + bk, g_row)
        W = W + jnp.where((sub8 == k) & (lan8 == bk), 1.0, 0.0)

    outp_ref[0] = val_row
    outv_ref[0] = voc_row
    oute_ref[0] = ((erow > 0) | (voc_row == _END)).astype(jnp.int32)
    gathered = lax.dot_general(dec, W, (((1,), (1,)), ((), ())),
                               preferred_element_type=jnp.float32)
    outd_ref[0] = gathered.astype(jnp.int32)
    outg_ref[0] = g_row


def kernel(cur_proba, proba, is_ended, state, decodeds):
    batch, beam, V = cur_proba.shape
    d = state.shape[-1]
    t = decodeds.shape[0]
    pcol = proba.reshape(batch, beam, 1)
    ecol = is_ended.astype(jnp.int32).reshape(batch, beam, 1)
    erow = is_ended.astype(jnp.int32).reshape(batch, 1, beam)
    dec3 = decodeds.astype(jnp.int32).transpose(1, 0, 2)

    outs = pl.pallas_call(
        _body,
        grid=(batch,),
        in_specs=[
            pl.BlockSpec((1, beam, V), lambda b: (b, 0, 0)),
            pl.BlockSpec((1, beam, 1), lambda b: (b, 0, 0)),
            pl.BlockSpec((1, beam, 1), lambda b: (b, 0, 0)),
            pl.BlockSpec((1, 1, beam), lambda b: (b, 0, 0)),
            pl.BlockSpec((1, t, beam), lambda b: (b, 0, 0)),
        ],
        out_specs=[
            pl.BlockSpec((1, 1, beam), lambda b: (b, 0, 0)),
            pl.BlockSpec((1, 1, beam), lambda b: (b, 0, 0)),
            pl.BlockSpec((1, 1, beam), lambda b: (b, 0, 0)),
            pl.BlockSpec((1, t, beam), lambda b: (b, 0, 0)),
            pl.BlockSpec((1, 1, beam), lambda b: (b, 0, 0)),
        ],
        out_shape=[
            jax.ShapeDtypeStruct((batch, 1, beam), jnp.float32),
            jax.ShapeDtypeStruct((batch, 1, beam), jnp.int32),
            jax.ShapeDtypeStruct((batch, 1, beam), jnp.int32),
            jax.ShapeDtypeStruct((batch, t, beam), jnp.int32),
            jax.ShapeDtypeStruct((batch, 1, beam), jnp.int32),
        ],
        scratch_shapes=[
            pltpu.SMEM((1,), jnp.float32),
            pltpu.SMEM((1,), jnp.int32),
        ],
    )(cur_proba, pcol, ecol, erow, dec3)

    new_proba3, voc3, ended3, decg3, gidx3 = outs
    new_state = _sc_state_gather(state.reshape(batch * beam, d),
                                 gidx3.reshape(batch * beam)
                                 ).reshape(batch, beam, d)
    new_proba = new_proba3.reshape(batch, beam)
    topk_voc = voc3.reshape(batch, beam)
    new_is_ended = ended3.reshape(batch, beam).astype(bool)
    gathered_dec = decg3.transpose(1, 0, 2)
    new_decodeds = jnp.concatenate([gathered_dec, topk_voc[None]], axis=0)
    cur_input = topk_voc.reshape(-1)
    return new_proba, new_decodeds, new_is_ended, new_state, cur_input

# --- scband reference (transcript-rebuilt; emitter-appended) ---
"""Pipeline reference for scband-latent-sequence-decoder-27496380629414 (READ-ONLY COPY).

The authoritative reference and input builder live on the scoring server;
editing this copy changes nothing except your own understanding.
"""

import jax, jax.numpy as jnp
import numpy as np

VOC_SIZE = 32768
END_TOKEN = 2
BEAM_SIZE = 8


def setup_inputs(seed: int = 0) -> dict:
    key = jax.random.key(seed)
    k1, k2, k3, k4 = jax.random.split(key, 4)
    batch, beam, V, d, t = 64, BEAM_SIZE, VOC_SIZE, 1024, 16
    cur_proba = jax.random.normal(k1, (batch, beam, V), dtype=jnp.float32)
    proba = jax.random.normal(k2, (batch, beam), dtype=jnp.float32)
    state = jax.random.normal(k3, (batch, beam, d), dtype=jnp.float32)
    decodeds = jax.random.randint(k4, (t, batch, beam), 0, V)
    is_ended = jnp.zeros((batch, beam), dtype=bool)
    return {
        'cur_proba': cur_proba,
        'proba': proba,
        'is_ended': is_ended,
        'state': state,
        'decodeds': decodeds,
    }


def reference(cur_proba, proba, is_ended, state, decodeds):
    # One beam-search step from LatentSequenceDecoder.beam_search (the top-k
    # masking core): log-normalize, mask ended beams, joint top-k over
    # beam*voc, then gather decoded histories and recurrent state by beam.
    batch, beam, V = cur_proba.shape
    # cur_proba = cur_proba - log(sum(exp(cur_proba)))
    logp = cur_proba - jnp.log(jnp.exp(cur_proba).sum(axis=-1, keepdims=True))
    # cur_proba[is_ended] = -inf ; cur_proba[:, :, end_token][is_ended] = 0
    logp = jnp.where(is_ended[:, :, None], -jnp.inf, logp)
    end_col = jnp.where(is_ended, 0.0, logp[:, :, END_TOKEN])
    logp = logp.at[:, :, END_TOKEN].set(end_col)
    # proba = proba.unsqueeze(2) + cur_proba ; flatten ; topk
    total = proba[:, :, None] + logp
    flat = total.reshape(batch, beam * V)
    new_proba, topk_beam_voc = jax.lax.top_k(flat, beam)
    topk_voc = topk_beam_voc % V
    topk_beam = topk_beam_voc // V
    # decodeds = cat([decodeds.gather(-1, topk_beam.expand(...)), topk_voc[None]])
    gathered_dec = jnp.take_along_axis(
        decodeds, jnp.broadcast_to(topk_beam[None, :, :], decodeds.shape), axis=-1)
    new_decodeds = jnp.concatenate([gathered_dec, topk_voc[None, :, :]], axis=0)
    # is_ended[topk_voc == end_token] = True
    new_is_ended = jnp.logical_or(is_ended, topk_voc == END_TOKEN)
    # state = state.gather(-2, topk_beam.unsqueeze(-1).expand(*state.shape))
    new_state = jnp.take_along_axis(
        state, jnp.broadcast_to(topk_beam[:, :, None], state.shape), axis=-2)
    cur_input = topk_voc.reshape(-1)
    return new_proba, new_decodeds, new_is_ended, new_state, cur_input

if __name__ == "__main__":
    import jax
    _d = setup_inputs()
    print(jax.jit(kernel)(*tuple(_d.values())))

</pallas_src>

<mosaic_0001>
#map = affine_map<(d0, d1) -> (0, 0)>
#map1 = affine_map<(d0, d1) -> (0)>
module attributes {stable_mosaic.version = 14 : i64} {
  func.func @gather_rows(%arg0: i32, %arg1: i32, %arg2: memref<512x1024xf32, #tpu.memory_space<hbm>>, %arg3: memref<512xi32, #tpu.memory_space<hbm>>, %arg4: memref<512x1024xf32, #tpu.memory_space<hbm>>, %arg5: memref<16xi32, #tpu.memory_space<vmem>>, %arg6: memref<16x1024xf32, #tpu.memory_space<vmem>>, %arg7: memref<!tpu.dma_semaphore, #tpu.memory_space<semaphore_mem>>) attributes {dimension_semantics = [#tpu.dimension_semantics<core_parallel>, #tpu.dimension_semantics<subcore_parallel>], iteration_bounds = array<i64: 2, 16>, scalar_prefetch = 0 : i64, scratch_operands = 3 : i64, tpu.core_type = #tpu.core_type<sc_vector_subcore>, window_params = [{transform_indices = #map}, {transform_indices = #map1}, {transform_indices = #map}]} {
    %mul3A = arith.constant 2 : i32
    %mul3A_0 = arith.muli %arg1, %mul3A : i32
    %add3A = arith.addi %mul3A_0, %arg0 : i32
    %mul3A_1 = arith.constant 16 : i32
    %mul3A_2 = arith.muli %add3A, %mul3A_1 : i32
    "tpu.region"() ({
      %run_scoped3A = tpu.sem_alloc : memref<!tpu.dma_semaphore, #tpu.memory_space<semaphore_mem>>
      %dma_start3A_7 = tpu.memref_slice %arg3[%mul3A_2] : memref<512xi32, #tpu.memory_space<hbm>> -> memref<16xi32, #tpu.memory_space<hbm>>
      %dma_start3A_8 = tpu.memref_slice %arg3[%mul3A_2] : memref<512xi32, #tpu.memory_space<hbm>> -> memref<16xi32, #tpu.memory_space<hbm>>
      tpu.enqueue_dma source(%dma_start3A_8 : memref<16xi32, #tpu.memory_space<hbm>>) target(%arg5 : memref<16xi32, #tpu.memory_space<vmem>>) target_semaphore(%run_scoped3A : memref<!tpu.dma_semaphore, #tpu.memory_space<semaphore_mem>>)
      %dma_wait3A_9 = tpu.memref_slice %arg3[%mul3A_2] : memref<512xi32, #tpu.memory_space<hbm>> -> memref<16xi32, #tpu.memory_space<hbm>>
      %dma_wait3A_10 = tpu.memref_slice %arg3[%mul3A_2] : memref<512xi32, #tpu.memory_space<hbm>> -> memref<16xi32, #tpu.memory_space<hbm>>
      tpu.wait_dma2 semaphore(%run_scoped3A : memref<!tpu.dma_semaphore, #tpu.memory_space<semaphore_mem>>) src(%dma_wait3A_10 : memref<16xi32, #tpu.memory_space<hbm>>) dst(%arg5 : memref<16xi32, #tpu.memory_space<vmem>>)
      tpu.yield
    }) : () -> ()
    %dma_start3A = arith.constant 0 : i32
    %dma_start3A_3 = arith.constant 0 : i32
    %dma_start3A_4 = tpu.memref_slice %arg2[%dma_start3A, %dma_start3A_3] : memref<512x1024xf32, #tpu.memory_space<hbm>> -> memref<512x1024xf32, #tpu.memory_space<hbm>>
    tpu.enqueue_indirect_dma source(%dma_start3A_4 : memref<512x1024xf32, #tpu.memory_space<hbm>>) target(%arg6 : memref<16x1024xf32, #tpu.memory_space<vmem>>) offsets(%arg5 : memref<16xi32, #tpu.memory_space<vmem>>) semaphore(%arg7 : memref<!tpu.dma_semaphore, #tpu.memory_space<semaphore_mem>>)
    %dma_wait3A = arith.constant 0 : i32
    %dma_wait3A_5 = arith.constant 0 : i32
    %dma_wait3A_6 = tpu.memref_slice %arg2[%dma_wait3A, %dma_wait3A_5] : memref<512x1024xf32, #tpu.memory_space<hbm>> -> memref<512x1024xf32, #tpu.memory_space<hbm>>
    tpu.wait_indirect_dma semaphore(%arg7 : memref<!tpu.dma_semaphore, #tpu.memory_space<semaphore_mem>>) src(%dma_wait3A_6 : memref<512x1024xf32, #tpu.memory_space<hbm>>) dst(%arg6 : memref<16x1024xf32, #tpu.memory_space<vmem>>)
    "tpu.region"() ({
      %run_scoped3A = tpu.sem_alloc : memref<!tpu.dma_semaphore, #tpu.memory_space<semaphore_mem>>
      %dma_start3A_7 = arith.constant 0 : i32
      %dma_start3A_8 = tpu.memref_slice %arg4[%mul3A_2, %dma_start3A_7] : memref<512x1024xf32, #tpu.memory_space<hbm>> -> memref<16x1024xf32, #tpu.memory_space<hbm>>
      %dma_start3A_9 = arith.constant 0 : i32
      %dma_start3A_10 = tpu.memref_slice %arg4[%mul3A_2, %dma_start3A_9] : memref<512x1024xf32, #tpu.memory_space<hbm>> -> memref<16x1024xf32, #tpu.memory_space<hbm>>
      tpu.enqueue_dma source(%arg6 : memref<16x1024xf32, #tpu.memory_space<vmem>>) target(%dma_start3A_10 : memref<16x1024xf32, #tpu.memory_space<hbm>>) target_semaphore(%run_scoped3A : memref<!tpu.dma_semaphore, #tpu.memory_space<semaphore_mem>>)
      %dma_wait3A_11 = arith.constant 0 : i32
      %dma_wait3A_12 = tpu.memref_slice %arg4[%mul3A_2, %dma_wait3A_11] : memref<512x1024xf32, #tpu.memory_space<hbm>> -> memref<16x1024xf32, #tpu.memory_space<hbm>>
      %dma_wait3A_13 = arith.constant 0 : i32
      %dma_wait3A_14 = tpu.memref_slice %arg4[%mul3A_2, %dma_wait3A_13] : memref<512x1024xf32, #tpu.memory_space<hbm>> -> memref<16x1024xf32, #tpu.memory_space<hbm>>
      tpu.wait_dma2 semaphore(%run_scoped3A : memref<!tpu.dma_semaphore, #tpu.memory_space<semaphore_mem>>) src(%arg6 : memref<16x1024xf32, #tpu.memory_space<vmem>>) dst(%dma_wait3A_14 : memref<16x1024xf32, #tpu.memory_space<hbm>>)
      tpu.yield
    }) : () -> ()
    return
  }
}

module attributes {stable_mosaic.version = 14 : i64} {
  func.func @_body(%arg0: i32, %arg1: memref<1x8x32768xf32, #tpu.memory_space<vmem>>, %arg2: memref<1x8x1xf32, #tpu.memory_space<vmem>>, %arg3: memref<1x8x1xi32, #tpu.memory_space<vmem>>, %arg4: memref<1x1x8xi32, #tpu.memory_space<vmem>>, %arg5: memref<1x16x8xi32, #tpu.memory_space<vmem>>, %arg6: memref<1x1x8xf32, #tpu.memory_space<vmem>>, %arg7: memref<1x1x8xi32, #tpu.memory_space<vmem>>, %arg8: memref<1x1x8xi32, #tpu.memory_space<vmem>>, %arg9: memref<1x16x8xi32, #tpu.memory_space<vmem>>, %arg10: memref<1x1x8xi32, #tpu.memory_space<vmem>>, %arg11: memref<1xf32, #tpu.memory_space<smem>>, %arg12: memref<1xi32, #tpu.memory_space<smem>>) attributes {dimension_semantics = [#tpu.dimension_semantics<arbitrary>], iteration_bounds = array<i64: 64>, scalar_prefetch = 0 : i64, scratch_operands = 2 : i64, tpu.core_type = #tpu.core_type<tc>, window_params = [{transform_indices = @transform_0, window_bounds = array<i64: 1, 8, 32768>}, {transform_indices = @transform_1, window_bounds = array<i64: 1, 8, 1>}, {transform_indices = @transform_2, window_bounds = array<i64: 1, 8, 1>}, {transform_indices = @transform_3, window_bounds = array<i64: 1, 1, 8>}, {transform_indices = @transform_4, window_bounds = array<i64: 1, 16, 8>}, {transform_indices = @transform_5, window_bounds = array<i64: 1, 1, 8>}, {transform_indices = @transform_6, window_bounds = array<i64: 1, 1, 8>}, {transform_indices = @transform_7, window_bounds = array<i64: 1, 1, 8>}, {transform_indices = @transform_8, window_bounds = array<i64: 1, 16, 8>}, {transform_indices = @transform_9, window_bounds = array<i64: 1, 1, 8>}]} {
    %get3A = arith.constant 0 : index
    %get3A_0 = arith.constant 0 : index
    %get3A_1 = arith.constant 0 : index
    %get3A_2 = vector.load %arg1[%get3A, %get3A_0, %get3A_1] : memref<1x8x32768xf32, #tpu.memory_space<vmem>>, vector<1x8x32768xf32>
    %get3A_3 = vector.shape_cast %get3A_2 : vector<1x8x32768xf32> to vector<8x32768xf32>
    %get3A_4 = arith.constant 0 : index
    %get3A_5 = arith.constant 0 : index
    %get3A_6 = arith.constant 0 : index
    %get3A_7 = vector.load %arg2[%get3A_4, %get3A_5, %get3A_6] : memref<1x8x1xf32, #tpu.memory_space<vmem>>, vector<1x8x1xf32>
    %get3A_8 = vector.shape_cast %get3A_7 : vector<1x8x1xf32> to vector<8x1xf32>
    %get3A_9 = arith.constant 0 : index
    %get3A_10 = arith.constant 0 : index
    %get3A_11 = arith.constant 0 : index
    %get3A_12 = vector.load %arg3[%get3A_9, %get3A_10, %get3A_11] : memref<1x8x1xi32, #tpu.memory_space<vmem>>, vector<1x8x1xi32>
    %get3A_13 = vector.shape_cast %get3A_12 : vector<1x8x1xi32> to vector<8x1xi32>
    %get3A_14 = arith.constant 0 : index
    %get3A_15 = arith.constant 0 : index
    %get3A_16 = arith.constant 0 : index
    %get3A_17 = vector.load %arg4[%get3A_14, %get3A_15, %get3A_16] : memref<1x1x8xi32, #tpu.memory_space<vmem>>, vector<1x1x8xi32>
    %get3A_18 = vector.shape_cast %get3A_17 : vector<1x1x8xi32> to vector<1x8xi32>
    %get3A_19 = arith.constant 0 : index
    %get3A_20 = arith.constant 0 : index
    %get3A_21 = arith.constant 0 : index
    %get3A_22 = vector.load %arg5[%get3A_19, %get3A_20, %get3A_21] : memref<1x16x8xi32, #tpu.memory_space<vmem>>, vector<1x16x8xi32>
    %get3A_23 = vector.shape_cast %get3A_22 : vector<1x16x8xi32> to vector<16x8xi32>
    %convert_element_type3A = arith.sitofp %get3A_23 : vector<16x8xi32> to vector<16x8xf32>
    %exp3A = math.exp %get3A_3 : vector<8x32768xf32>
    %reduce_sum3A = arith.constant dense<0.000000e+00> : vector<8xf32>
    %reduce_sum3A_24 = vector.multi_reduction <add>, %exp3A, %reduce_sum3A [1] : vector<8x32768xf32> to vector<8xf32>
    %broadcast_in_dim3A = vector.shape_cast %reduce_sum3A_24 : vector<8xf32> to vector<8x1xf32>
    %log3A = math.log %broadcast_in_dim3A : vector<8x1xf32>
    %sub3A = arith.subf %get3A_8, %log3A : vector<8x1xf32>
    %reshape3A = vector.shape_cast %get3A_3 : vector<8x32768xf32> to vector<8x256x128xf32>
    %iota3A = tpu.iota {dimensions = array<i32: 1>} : vector<8x256x128xi32>
    %reduce_max3A = arith.constant dense<0xFF800000> : vector<8x128xf32>
    %reduce_max3A_25 = vector.multi_reduction <maximumf>, %reshape3A, %reduce_max3A [1] : vector<8x256x128xf32> to vector<8x128xf32>
    %broadcast_in_dim3A_26 = vector.shape_cast %reduce_max3A_25 : vector<8x128xf32> to vector<8x1x128xf32>
    %eq3A = vector.broadcast %broadcast_in_dim3A_26 : vector<8x1x128xf32> to vector<8x256x128xf32>
    %eq3A_27 = arith.cmpf oeq, %reshape3A, %eq3A : vector<8x256x128xf32>
    %jit3A = arith.constant 1073741824 : i32
    %broadcast_in_dim3A_28 = vector.broadcast %jit3A : i32 to vector<8x256x128xi32>
    %select_n3A = arith.select %eq3A_27, %iota3A, %broadcast_in_dim3A_28 : vector<8x256x128xi1>, vector<8x256x128xi32>
    %reduce_min3A = arith.constant dense<2147483647> : vector<8x128xi32>
    %reduce_min3A_29 = vector.multi_reduction <minsi>, %select_n3A, %reduce_min3A [1] : vector<8x256x128xi32> to vector<8x128xi32>
    %broadcast_in_dim3A_30 = vector.shape_cast %reduce_min3A_29 : vector<8x128xi32> to vector<8x1x128xi32>
    %eq3A_31 = vector.broadcast %broadcast_in_dim3A_30 : vector<8x1x128xi32> to vector<8x256x128xi32>
    %eq3A_32 = arith.cmpi eq, %iota3A, %eq3A_31 : vector<8x256x128xi32>
    %jit3A_33 = arith.constant 0xFF800000 : f32
    %broadcast_in_dim3A_34 = vector.broadcast %jit3A_33 : f32 to vector<8x256x128xf32>
    %select_n3A_35 = arith.select %eq3A_32, %broadcast_in_dim3A_34, %reshape3A : vector<8x256x128xi1>, vector<8x256x128xf32>
    %reduce_max3A_36 = arith.constant dense<0xFF800000> : vector<8x128xf32>
    %reduce_max3A_37 = vector.multi_reduction <maximumf>, %select_n3A_35, %reduce_max3A_36 [1] : vector<8x256x128xf32> to vector<8x128xf32>
    %broadcast_in_dim3A_38 = vector.shape_cast %reduce_max3A_37 : vector<8x128xf32> to vector<8x1x128xf32>
    %eq3A_39 = vector.broadcast %broadcast_in_dim3A_38 : vector<8x1x128xf32> to vector<8x256x128xf32>
    %eq3A_40 = arith.cmpf oeq, %select_n3A_35, %eq3A_39 : vector<8x256x128xf32>
    %jit3A_41 = arith.constant 1073741824 : i32
    %broadcast_in_dim3A_42 = vector.broadcast %jit3A_41 : i32 to vector<8x256x128xi32>
    %select_n3A_43 = arith.select %eq3A_40, %iota3A, %broadcast_in_dim3A_42 : vector<8x256x128xi1>, vector<8x256x128xi32>
    %reduce_min3A_44 = arith.constant dense<2147483647> : vector<8x128xi32>
    %reduce_min3A_45 = vector.multi_reduction <minsi>, %select_n3A_43, %reduce_min3A_44 [1] : vector<8x256x128xi32> to vector<8x128xi32>
    %iota3A_46 = tpu.iota {dimensions = array<i32: 0>} : vector<8x128xi32>
    %iota3A_47 = tpu.iota {dimensions = array<i32: 1>} : vector<8x128xi32>
    %mul3A = arith.constant 32768 : i32
    %mul3A_48 = vector.broadcast %mul3A : i32 to vector<8x128xi32>
    %mul3A_49 = arith.muli %iota3A_46, %mul3A_48 : vector<8x128xi32>
    %add3A = arith.addi %mul3A_49, %iota3A_47 : vector<8x128xi32>
    %add3A_50 = vector.broadcast %sub3A : vector<8x1xf32> to vector<8x128xf32>
    %add3A_51 = arith.addf %reduce_max3A_25, %add3A_50 : vector<8x128xf32>
    %mul3A_52 = arith.constant 128 : i32
    %mul3A_53 = vector.broadcast %mul3A_52 : i32 to vector<8x128xi32>
    %mul3A_54 = arith.muli %reduce_min3A_29, %mul3A_53 : vector<8x128xi32>
    %add3A_55 = arith.addi %add3A, %mul3A_54 : vector<8x128xi32>
    %add3A_56 = vector.broadcast %sub3A : vector<8x1xf32> to vector<8x128xf32>
    %add3A_57 = arith.addf %reduce_max3A_37, %add3A_56 : vector<8x128xf32>
    %mul3A_58 = arith.constant 128 : i32
    %mul3A_59 = vector.broadcast %mul3A_58 : i32 to vector<8x128xi32>
    %mul3A_60 = arith.muli %reduce_min3A_45, %mul3A_59 : vector<8x128xi32>
    %add3A_61 = arith.addi %add3A, %mul3A_60 : vector<8x128xi32>
    %gt3A = arith.constant 0 : i32
    %gt3A_62 = vector.broadcast %gt3A : i32 to vector<8x1xi32>
    %gt3A_63 = arith.cmpi sgt, %get3A_13, %gt3A_62 : vector<8x1xi32>
    %eq3A_64 = arith.constant 2 : i32
    %eq3A_65 = vector.broadcast %eq3A_64 : i32 to vector<8x128xi32>
    %eq3A_66 = arith.cmpi eq, %iota3A_47, %eq3A_65 : vector<8x128xi32>
    %mul3A_67 = arith.constant 32768 : i32
    %mul3A_68 = vector.broadcast %mul3A_67 : i32 to vector<8x128xi32>
    %mul3A_69 = arith.muli %iota3A_46, %mul3A_68 : vector<8x128xi32>
    %add3A_70 = arith.constant 2 : i32
    %add3A_71 = vector.broadcast %add3A_70 : i32 to vector<8x128xi32>
    %add3A_72 = arith.addi %mul3A_69, %add3A_71 : vector<8x128xi32>
    %jit3A_73 = arith.constant 0xFF800000 : f32
    %broadcast_in_dim3A_74 = vector.shape_cast %get3A_8 : vector<8x1xf32> to vector<8x1xf32>
    %broadcast_in_dim3A_75 = vector.broadcast %broadcast_in_dim3A_74 : vector<8x1xf32> to vector<8x128xf32>
    %broadcast_in_dim3A_76 = vector.broadcast %jit3A_73 : f32 to vector<8x128xf32>
    %select_n3A_77 = arith.select %eq3A_66, %broadcast_in_dim3A_75, %broadcast_in_dim3A_76 : vector<8x128xi1>, vector<8x128xf32>
    %broadcast_in_dim3A_78 = vector.shape_cast %gt3A_63 : vector<8x1xi1> to vector<8x1xi1>
    %broadcast_in_dim3A_79 = vector.broadcast %broadcast_in_dim3A_78 : vector<8x1xi1> to vector<8x128xi1>
    %select_n3A_80 = arith.select %broadcast_in_dim3A_79, %select_n3A_77, %add3A_51 : vector<8x128xi1>, vector<8x128xf32>
    %jit3A_81 = arith.constant 1073741824 : i32
    %broadcast_in_dim3A_82 = vector.broadcast %jit3A_81 : i32 to vector<8x128xi32>
    %select_n3A_83 = arith.select %eq3A_66, %add3A_72, %broadcast_in_dim3A_82 : vector<8x128xi1>, vector<8x128xi32>
    %broadcast_in_dim3A_84 = vector.shape_cast %gt3A_63 : vector<8x1xi1> to vector<8x1xi1>
    %broadcast_in_dim3A_85 = vector.broadcast %broadcast_in_dim3A_84 : vector<8x1xi1> to vector<8x128xi1>
    %select_n3A_86 = arith.select %broadcast_in_dim3A_85, %select_n3A_83, %add3A_55 : vector<8x128xi1>, vector<8x128xi32>
    %jit3A_87 = arith.constant 0xFF800000 : f32
    %broadcast_in_dim3A_88 = vector.shape_cast %gt3A_63 : vector<8x1xi1> to vector<8x1xi1>
    %broadcast_in_dim3A_89 = vector.broadcast %broadcast_in_dim3A_88 : vector<8x1xi1> to vector<8x128xi1>
    %broadcast_in_dim3A_90 = vector.broadcast %jit3A_87 : f32 to vector<8x128xf32>
    %select_n3A_91 = arith.select %broadcast_in_dim3A_89, %broadcast_in_dim3A_90, %add3A_57 : vector<8x128xi1>, vector<8x128xf32>
    %jit3A_92 = arith.constant 1073741824 : i32
    %broadcast_in_dim3A_93 = vector.shape_cast %gt3A_63 : vector<8x1xi1> to vector<8x1xi1>
    %broadcast_in_dim3A_94 = vector.broadcast %broadcast_in_dim3A_93 : vector<8x1xi1> to vector<8x128xi1>
    %broadcast_in_dim3A_95 = vector.broadcast %jit3A_92 : i32 to vector<8x128xi32>
    %select_n3A_96 = arith.select %broadcast_in_dim3A_94, %broadcast_in_dim3A_95, %add3A_61 : vector<8x128xi1>, vector<8x128xi32>
    %broadcast_in_dim3A_97 = arith.constant 0 : i32
    %broadcast_in_dim3A_98 = vector.broadcast %broadcast_in_dim3A_97 : i32 to vector<8x128xi32>
    %iota3A_99 = tpu.iota {dimensions = array<i32: 1>} : vector<1x8xi32>
    %iota3A_100 = tpu.iota {dimensions = array<i32: 0>} : vector<8x8xi32>
    %iota3A_101 = tpu.iota {dimensions = array<i32: 1>} : vector<8x8xi32>
    %broadcast_in_dim3A_102 = arith.constant 0.000000e+00 : f32
    %broadcast_in_dim3A_103 = vector.broadcast %broadcast_in_dim3A_102 : f32 to vector<1x8xf32>
    %broadcast_in_dim3A_104 = arith.constant 0 : i32
    %broadcast_in_dim3A_105 = vector.broadcast %broadcast_in_dim3A_104 : i32 to vector<1x8xi32>
    %broadcast_in_dim3A_106 = arith.constant 0 : i32
    %broadcast_in_dim3A_107 = vector.broadcast %broadcast_in_dim3A_106 : i32 to vector<1x8xi32>
    %broadcast_in_dim3A_108 = arith.constant 0.000000e+00 : f32
    %broadcast_in_dim3A_109 = vector.broadcast %broadcast_in_dim3A_108 : f32 to vector<8x8xf32>
    %reduce_max3A_110 = vector.shape_cast %select_n3A_80 : vector<8x128xf32> to vector<1x8x128xf32>
    %reduce_max3A_111 = arith.constant dense<0xFF800000> : vector<1xf32>
    %reduce_max3A_112 = vector.multi_reduction <maximumf>, %reduce_max3A_110, %reduce_max3A_111 [1, 2] : vector<1x8x128xf32> to vector<1xf32>
    %reduce_max3A_113 = vector.shape_cast %reduce_max3A_112 : vector<1xf32> to vector<1x1x1xf32>
    %reduce_max3A_114 = vector.extract %reduce_max3A_113[0, 0, 0] : f32 from vector<1x1x1xf32>
    %not3A = arith.constant false
    %not3A_115 = arith.constant true
    %not3A_116 = arith.xori %not3A, %not3A_115 : i1
    %gt3A_117 = arith.constant 0xFF800000 : f32
    %gt3A_118 = arith.cmpf ogt, %reduce_max3A_114, %gt3A_117 : f32
    %and3A = arith.andi %not3A_116, %gt3A_118 : i1
    %convert_element_type3A_119 = arith.extui %and3A : i1 to i32
    %cond3A = arith.constant 1073741824 : i32
    %cond3A_120 = arith.constant 0 : i32
    %cond3A_121 = arith.cmpi ne, %convert_element_type3A_119, %cond3A_120 : i32
    scf.if %cond3A_121 {
      %eq3A_841 = vector.broadcast %reduce_max3A_114 : f32 to vector<8x128xf32>
      %eq3A_842 = arith.cmpf oeq, %select_n3A_80, %eq3A_841 : vector<8x128xf32>
      %broadcast_in_dim3A_843 = vector.broadcast %cond3A : i32 to vector<8x128xi32>
      %select_n3A_844 = arith.select %eq3A_842, %select_n3A_86, %broadcast_in_dim3A_843 : vector<8x128xi1>, vector<8x128xi32>
      %reduce_min3A_845 = vector.shape_cast %select_n3A_844 : vector<8x128xi32> to vector<1x8x128xi32>
      %reduce_min3A_846 = arith.constant dense<2147483647> : vector<1xi32>
      %reduce_min3A_847 = vector.multi_reduction <minsi>, %reduce_min3A_845, %reduce_min3A_846 [1, 2] : vector<1x8x128xi32> to vector<1xi32>
      %reduce_min3A_848 = vector.shape_cast %reduce_min3A_847 : vector<1xi32> to vector<1x1x1xi32>
      %reduce_min3A_849 = vector.extract %reduce_min3A_848[0, 0, 0] : i32 from vector<1x1x1xi32>
      %swap3A_850 = arith.constant 0 : index
      %swap3A_851 = memref.load %arg11[%swap3A_850] : memref<1xf32, #tpu.memory_space<smem>>
      memref.store %reduce_max3A_114, %arg11[%swap3A_850] : memref<1xf32, #tpu.memory_space<smem>>
      %swap3A_852 = arith.constant 0 : index
      %swap3A_853 = memref.load %arg12[%swap3A_852] : memref<1xi32, #tpu.memory_space<smem>>
      memref.store %reduce_min3A_849, %arg12[%swap3A_852] : memref<1xi32, #tpu.memory_space<smem>>
    } else {
    }
    %not3A_122 = arith.constant true
    %not3A_123 = arith.xori %and3A, %not3A_122 : i1
    %convert_element_type3A_124 = arith.extui %not3A_123 : i1 to i32
    %cond3A_125 = arith.constant 0xFF800000 : f32
    %cond3A_126 = arith.constant 1073741824 : i32
    %cond3A_127 = arith.constant 0 : i32
    %cond3A_128 = arith.cmpi ne, %convert_element_type3A_124, %cond3A_127 : i32
    scf.if %cond3A_128 {
      %iota3A_841 = tpu.iota {dimensions = array<i32: 0>} : vector<8x256x128xi32>
      %mul3A_842 = arith.constant 32768 : i32
      %mul3A_843 = vector.broadcast %mul3A_842 : i32 to vector<8x256x128xi32>
      %mul3A_844 = arith.muli %iota3A_841, %mul3A_843 : vector<8x256x128xi32>
      %iota3A_845 = tpu.iota {dimensions = array<i32: 1>} : vector<8x256x128xi32>
      %mul3A_846 = arith.constant 128 : i32
      %mul3A_847 = vector.broadcast %mul3A_846 : i32 to vector<8x256x128xi32>
      %mul3A_848 = arith.muli %iota3A_845, %mul3A_847 : vector<8x256x128xi32>
      %add3A_849 = arith.addi %mul3A_844, %mul3A_848 : vector<8x256x128xi32>
      %iota3A_850 = tpu.iota {dimensions = array<i32: 2>} : vector<8x256x128xi32>
      %add3A_851 = arith.addi %add3A_849, %iota3A_850 : vector<8x256x128xi32>
      %broadcast_in_dim3A_852 = vector.shape_cast %sub3A : vector<8x1xf32> to vector<8x1x1xf32>
      %add3A_853 = vector.broadcast %broadcast_in_dim3A_852 : vector<8x1x1xf32> to vector<8x256x128xf32>
      %add3A_854 = arith.addf %reshape3A, %add3A_853 : vector<8x256x128xf32>
      %broadcast_in_dim3A_855 = vector.shape_cast %gt3A_63 : vector<8x1xi1> to vector<8x1x1xi1>
      %iota3A_856 = tpu.iota {dimensions = array<i32: 0>} : vector<8x1x1xi32>
      %mul3A_857 = arith.constant 32768 : i32
      %mul3A_858 = vector.broadcast %mul3A_857 : i32 to vector<8x1x1xi32>
      %mul3A_859 = arith.muli %iota3A_856, %mul3A_858 : vector<8x1x1xi32>
      %add3A_860 = arith.constant 2 : i32
      %add3A_861 = vector.broadcast %add3A_860 : i32 to vector<8x1x1xi32>
      %add3A_862 = arith.addi %mul3A_859, %add3A_861 : vector<8x1x1xi32>
      %eq3A_863 = vector.broadcast %add3A_862 : vector<8x1x1xi32> to vector<8x256x128xi32>
      %eq3A_864 = arith.cmpi eq, %add3A_851, %eq3A_863 : vector<8x256x128xi32>
      %broadcast_in_dim3A_865 = vector.shape_cast %get3A_8 : vector<8x1xf32> to vector<8x1x1xf32>
      %broadcast_in_dim3A_866 = vector.shape_cast %broadcast_in_dim3A_865 : vector<8x1x1xf32> to vector<8x1x1xf32>
      %broadcast_in_dim3A_867 = vector.broadcast %broadcast_in_dim3A_866 : vector<8x1x1xf32> to vector<8x256x128xf32>
      %broadcast_in_dim3A_868 = vector.broadcast %cond3A_125 : f32 to vector<8x256x128xf32>
      %select_n3A_869 = arith.select %eq3A_864, %broadcast_in_dim3A_867, %broadcast_in_dim3A_868 : vector<8x256x128xi1>, vector<8x256x128xf32>
      %broadcast_in_dim3A_870 = vector.shape_cast %broadcast_in_dim3A_855 : vector<8x1x1xi1> to vector<8x1x1xi1>
      %broadcast_in_dim3A_871 = vector.broadcast %broadcast_in_dim3A_870 : vector<8x1x1xi1> to vector<8x256x128xi1>
      %select_n3A_872 = arith.select %broadcast_in_dim3A_871, %select_n3A_869, %add3A_854 : vector<8x256x128xi1>, vector<8x256x128xf32>
      %broadcast_in_dim3A_873 = arith.constant false
      %broadcast_in_dim3A_874 = vector.broadcast %broadcast_in_dim3A_873 : i1 to vector<8x256x128xi1>
      %broadcast_in_dim3A_875 = vector.broadcast %cond3A_125 : f32 to vector<8x256x128xf32>
      %select_n3A_876 = arith.select %broadcast_in_dim3A_874, %broadcast_in_dim3A_875, %select_n3A_872 : vector<8x256x128xi1>, vector<8x256x128xf32>
      %reduce_max3A_877 = vector.shape_cast %select_n3A_876 : vector<8x256x128xf32> to vector<1x8x256x128xf32>
      %reduce_max3A_878 = arith.constant dense<0xFF800000> : vector<1xf32>
      %reduce_max3A_879 = vector.multi_reduction <maximumf>, %reduce_max3A_877, %reduce_max3A_878 [1, 2, 3] : vector<1x8x256x128xf32> to vector<1xf32>
      %reduce_max3A_880 = vector.shape_cast %reduce_max3A_879 : vector<1xf32> to vector<1x1x1x1xf32>
      %reduce_max3A_881 = vector.extract %reduce_max3A_880[0, 0, 0, 0] : f32 from vector<1x1x1x1xf32>
      %eq3A_882 = vector.broadcast %reduce_max3A_881 : f32 to vector<8x256x128xf32>
      %eq3A_883 = arith.cmpf oeq, %select_n3A_876, %eq3A_882 : vector<8x256x128xf32>
      %broadcast_in_dim3A_884 = vector.broadcast %cond3A_126 : i32 to vector<8x256x128xi32>
      %select_n3A_885 = arith.select %eq3A_883, %add3A_851, %broadcast_in_dim3A_884 : vector<8x256x128xi1>, vector<8x256x128xi32>
      %reduce_min3A_886 = vector.shape_cast %select_n3A_885 : vector<8x256x128xi32> to vector<1x8x256x128xi32>
      %reduce_min3A_887 = arith.constant dense<2147483647> : vector<1xi32>
      %reduce_min3A_888 = vector.multi_reduction <minsi>, %reduce_min3A_886, %reduce_min3A_887 [1, 2, 3] : vector<1x8x256x128xi32> to vector<1xi32>
      %reduce_min3A_889 = vector.shape_cast %reduce_min3A_888 : vector<1xi32> to vector<1x1x1x1xi32>
      %reduce_min3A_890 = vector.extract %reduce_min3A_889[0, 0, 0, 0] : i32 from vector<1x1x1x1xi32>
      %swap3A_891 = arith.constant 0 : index
      %swap3A_892 = memref.load %arg11[%swap3A_891] : memref<1xf32, #tpu.memory_space<smem>>
      memref.store %reduce_max3A_881, %arg11[%swap3A_891] : memref<1xf32, #tpu.memory_space<smem>>
      %swap3A_893 = arith.constant 0 : index
      %swap3A_894 = memref.load %arg12[%swap3A_893] : memref<1xi32, #tpu.memory_space<smem>>
      memref.store %reduce_min3A_890, %arg12[%swap3A_893] : memref<1xi32, #tpu.memory_space<smem>>
    } else {
    }
    %get3A_129 = arith.constant 0 : index
    %get3A_130 = memref.load %arg11[%get3A_129] : memref<1xf32, #tpu.memory_space<smem>>
    %get3A_131 = arith.constant 0 : index
    %get3A_132 = memref.load %arg12[%get3A_131] : memref<1xi32, #tpu.memory_space<smem>>
    %eq3A_133 = vector.broadcast %get3A_132 : i32 to vector<8x128xi32>
    %eq3A_134 = arith.cmpi eq, %select_n3A_86, %eq3A_133 : vector<8x128xi32>
    %eq3A_135 = arith.constant 1 : i32
    %eq3A_136 = vector.broadcast %eq3A_135 : i32 to vector<8x128xi32>
    %eq3A_137 = arith.cmpi eq, %broadcast_in_dim3A_98, %eq3A_136 : vector<8x128xi32>
    %and3A_138 = arith.andi %eq3A_134, %eq3A_137 : vector<8x128xi1>
    %reduce_or3A = arith.constant 1.000000e+00 : f32
    %reduce_or3A_139 = arith.constant 0.000000e+00 : f32
    %reduce_or3A_140 = vector.broadcast %reduce_or3A : f32 to vector<8x128xf32>
    %reduce_or3A_141 = vector.broadcast %reduce_or3A_139 : f32 to vector<8x128xf32>
    %reduce_or3A_142 = arith.select %and3A_138, %reduce_or3A_140, %reduce_or3A_141 : vector<8x128xi1>, vector<8x128xf32>
    %reduce_or3A_143 = vector.shape_cast %reduce_or3A_142 : vector<8x128xf32> to vector<1x8x128xf32>
    %reduce_or3A_144 = arith.constant dense<0xFF800000> : vector<1xf32>
    %reduce_or3A_145 = vector.multi_reduction <maximumf>, %reduce_or3A_143, %reduce_or3A_144 [1, 2] : vector<1x8x128xf32> to vector<1xf32>
    %reduce_or3A_146 = vector.shape_cast %reduce_or3A_145 : vector<1xf32> to vector<1x1x1xf32>
    %reduce_or3A_147 = vector.extract %reduce_or3A_146[0, 0, 0] : f32 from vector<1x1x1xf32>
    %reduce_or3A_148 = arith.constant 0.000000e+00 : f32
    %reduce_or3A_149 = arith.cmpf ogt, %reduce_or3A_147, %reduce_or3A_148 : f32
    %and3A_150 = arith.andi %and3A, %reduce_or3A_149 : i1
    %max3A = arith.constant 0xFF800000 : f32
    %max3A_151 = arith.maximumf %max3A, %get3A_130 : f32
    %jit3A_152 = arith.constant 0xFF800000 : f32
    %select_n3A_153 = arith.select %and3A_150, %max3A_151, %jit3A_152 : f32
    %convert_element_type3A_154 = arith.extui %eq3A_134 : vector<8x128xi1> to vector<8x128xi32>
    %add3A_155 = arith.addi %broadcast_in_dim3A_98, %convert_element_type3A_154 : vector<8x128xi32>
    %select_n3A_156 = arith.select %eq3A_134, %select_n3A_91, %select_n3A_80 : vector<8x128xi1>, vector<8x128xf32>
    %select_n3A_157 = arith.select %eq3A_134, %select_n3A_96, %select_n3A_86 : vector<8x128xi1>, vector<8x128xi32>
    %jit3A_158 = arith.constant 0xFF800000 : f32
    %broadcast_in_dim3A_159 = vector.broadcast %jit3A_158 : f32 to vector<8x128xf32>
    %select_n3A_160 = arith.select %eq3A_134, %broadcast_in_dim3A_159, %select_n3A_91 : vector<8x128xi1>, vector<8x128xf32>
    %jit3A_161 = arith.constant 1073741824 : i32
    %broadcast_in_dim3A_162 = vector.broadcast %jit3A_161 : i32 to vector<8x128xi32>
    %select_n3A_163 = arith.select %eq3A_134, %broadcast_in_dim3A_162, %select_n3A_96 : vector<8x128xi1>, vector<8x128xi32>
    %not3A_164 = arith.constant true
    %not3A_165 = arith.xori %and3A, %not3A_164 : i1
    %or3A = arith.constant false
    %or3A_166 = arith.ori %or3A, %not3A_165 : i1
    %and3A_167 = arith.constant 32767 : i32
    %and3A_168 = arith.andi %get3A_132, %and3A_167 : i32
    %shift_right_logical3A = arith.constant 15 : i32
    %shift_right_logical3A_169 = arith.shrui %get3A_132, %shift_right_logical3A : i32
    %eq3A_170 = arith.constant 0 : i32
    %eq3A_171 = vector.broadcast %eq3A_170 : i32 to vector<1x8xi32>
    %eq3A_172 = arith.cmpi eq, %iota3A_99, %eq3A_171 : vector<1x8xi32>
    %broadcast_in_dim3A_173 = vector.broadcast %get3A_130 : f32 to vector<1x8xf32>
    %select_n3A_174 = arith.select %eq3A_172, %broadcast_in_dim3A_173, %broadcast_in_dim3A_103 : vector<1x8xi1>, vector<1x8xf32>
    %eq3A_175 = arith.constant 0 : i32
    %eq3A_176 = vector.broadcast %eq3A_175 : i32 to vector<1x8xi32>
    %eq3A_177 = arith.cmpi eq, %iota3A_99, %eq3A_176 : vector<1x8xi32>
    %broadcast_in_dim3A_178 = vector.broadcast %and3A_168 : i32 to vector<1x8xi32>
    %select_n3A_179 = arith.select %eq3A_177, %broadcast_in_dim3A_178, %broadcast_in_dim3A_105 : vector<1x8xi1>, vector<1x8xi32>
    %eq3A_180 = arith.constant 0 : i32
    %eq3A_181 = vector.broadcast %eq3A_180 : i32 to vector<1x8xi32>
    %eq3A_182 = arith.cmpi eq, %iota3A_99, %eq3A_181 : vector<1x8xi32>
    %mul3A_183 = arith.constant 8 : i32
    %mul3A_184 = arith.muli %arg0, %mul3A_183 : i32
    %add3A_185 = arith.addi %mul3A_184, %shift_right_logical3A_169 : i32
    %broadcast_in_dim3A_186 = vector.broadcast %add3A_185 : i32 to vector<1x8xi32>
    %select_n3A_187 = arith.select %eq3A_182, %broadcast_in_dim3A_186, %broadcast_in_dim3A_107 : vector<1x8xi1>, vector<1x8xi32>
    %eq3A_188 = arith.constant 0 : i32
    %eq3A_189 = vector.broadcast %eq3A_188 : i32 to vector<8x8xi32>
    %eq3A_190 = arith.cmpi eq, %iota3A_100, %eq3A_189 : vector<8x8xi32>
    %eq3A_191 = vector.broadcast %shift_right_logical3A_169 : i32 to vector<8x8xi32>
    %eq3A_192 = arith.cmpi eq, %iota3A_101, %eq3A_191 : vector<8x8xi32>
    %and3A_193 = arith.andi %eq3A_190, %eq3A_192 : vector<8x8xi1>
    %jit3A_194 = arith.constant 1.000000e+00 : f32
    %jit3A_195 = arith.constant 0.000000e+00 : f32
    %broadcast_in_dim3A_196 = vector.broadcast %jit3A_194 : f32 to vector<8x8xf32>
    %broadcast_in_dim3A_197 = vector.broadcast %jit3A_195 : f32 to vector<8x8xf32>
    %select_n3A_198 = arith.select %and3A_193, %broadcast_in_dim3A_196, %broadcast_in_dim3A_197 : vector<8x8xi1>, vector<8x8xf32>
    %add3A_199 = arith.addf %broadcast_in_dim3A_109, %select_n3A_198 : vector<8x8xf32>
    %reduce_max3A_200 = vector.shape_cast %select_n3A_156 : vector<8x128xf32> to vector<1x8x128xf32>
    %reduce_max3A_201 = arith.constant dense<0xFF800000> : vector<1xf32>
    %reduce_max3A_202 = vector.multi_reduction <maximumf>, %reduce_max3A_200, %reduce_max3A_201 [1, 2] : vector<1x8x128xf32> to vector<1xf32>
    %reduce_max3A_203 = vector.shape_cast %reduce_max3A_202 : vector<1xf32> to vector<1x1x1xf32>
    %reduce_max3A_204 = vector.extract %reduce_max3A_203[0, 0, 0] : f32 from vector<1x1x1xf32>
    %not3A_205 = arith.constant true
    %not3A_206 = arith.xori %or3A_166, %not3A_205 : i1
    %gt3A_207 = arith.cmpf ogt, %reduce_max3A_204, %select_n3A_153 : f32
    %and3A_208 = arith.andi %not3A_206, %gt3A_207 : i1
    %convert_element_type3A_209 = arith.extui %and3A_208 : i1 to i32
    %cond3A_210 = arith.constant 1073741824 : i32
    %cond3A_211 = arith.constant 0 : i32
    %cond3A_212 = arith.cmpi ne, %convert_element_type3A_209, %cond3A_211 : i32
    scf.if %cond3A_212 {
      %eq3A_841 = vector.broadcast %reduce_max3A_204 : f32 to vector<8x128xf32>
      %eq3A_842 = arith.cmpf oeq, %select_n3A_156, %eq3A_841 : vector<8x128xf32>
      %broadcast_in_dim3A_843 = vector.broadcast %cond3A_210 : i32 to vector<8x128xi32>
      %select_n3A_844 = arith.select %eq3A_842, %select_n3A_157, %broadcast_in_dim3A_843 : vector<8x128xi1>, vector<8x128xi32>
      %reduce_min3A_845 = vector.shape_cast %select_n3A_844 : vector<8x128xi32> to vector<1x8x128xi32>
      %reduce_min3A_846 = arith.constant dense<2147483647> : vector<1xi32>
      %reduce_min3A_847 = vector.multi_reduction <minsi>, %reduce_min3A_845, %reduce_min3A_846 [1, 2] : vector<1x8x128xi32> to vector<1xi32>
      %reduce_min3A_848 = vector.shape_cast %reduce_min3A_847 : vector<1xi32> to vector<1x1x1xi32>
      %reduce_min3A_849 = vector.extract %reduce_min3A_848[0, 0, 0] : i32 from vector<1x1x1xi32>
      %swap3A_850 = arith.constant 0 : index
      %swap3A_851 = memref.load %arg11[%swap3A_850] : memref<1xf32, #tpu.memory_space<smem>>
      memref.store %reduce_max3A_204, %arg11[%swap3A_850] : memref<1xf32, #tpu.memory_space<smem>>
      %swap3A_852 = arith.constant 0 : index
      %swap3A_853 = memref.load %arg12[%swap3A_852] : memref<1xi32, #tpu.memory_space<smem>>
      memref.store %reduce_min3A_849, %arg12[%swap3A_852] : memref<1xi32, #tpu.memory_space<smem>>
    } else {
    }
    %not3A_213 = arith.constant true
    %not3A_214 = arith.xori %and3A_208, %not3A_213 : i1
    %convert_element_type3A_215 = arith.extui %not3A_214 : i1 to i32
    %cond3A_216 = arith.constant 0xFF800000 : f32
    %cond3A_217 = arith.constant 1073741824 : i32
    %cond3A_218 = arith.constant 0 : i32
    %cond3A_219 = arith.cmpi ne, %convert_element_type3A_215, %cond3A_218 : i32
    scf.if %cond3A_219 {
      %iota3A_841 = tpu.iota {dimensions = array<i32: 0>} : vector<8x256x128xi32>
      %mul3A_842 = arith.constant 32768 : i32
      %mul3A_843 = vector.broadcast %mul3A_842 : i32 to vector<8x256x128xi32>
      %mul3A_844 = arith.muli %iota3A_841, %mul3A_843 : vector<8x256x128xi32>
      %iota3A_845 = tpu.iota {dimensions = array<i32: 1>} : vector<8x256x128xi32>
      %mul3A_846 = arith.constant 128 : i32
      %mul3A_847 = vector.broadcast %mul3A_846 : i32 to vector<8x256x128xi32>
      %mul3A_848 = arith.muli %iota3A_845, %mul3A_847 : vector<8x256x128xi32>
      %add3A_849 = arith.addi %mul3A_844, %mul3A_848 : vector<8x256x128xi32>
      %iota3A_850 = tpu.iota {dimensions = array<i32: 2>} : vector<8x256x128xi32>
      %add3A_851 = arith.addi %add3A_849, %iota3A_850 : vector<8x256x128xi32>
      %broadcast_in_dim3A_852 = vector.shape_cast %sub3A : vector<8x1xf32> to vector<8x1x1xf32>
      %add3A_853 = vector.broadcast %broadcast_in_dim3A_852 : vector<8x1x1xf32> to vector<8x256x128xf32>
      %add3A_854 = arith.addf %reshape3A, %add3A_853 : vector<8x256x128xf32>
      %broadcast_in_dim3A_855 = vector.shape_cast %gt3A_63 : vector<8x1xi1> to vector<8x1x1xi1>
      %iota3A_856 = tpu.iota {dimensions = array<i32: 0>} : vector<8x1x1xi32>
      %mul3A_857 = arith.constant 32768 : i32
      %mul3A_858 = vector.broadcast %mul3A_857 : i32 to vector<8x1x1xi32>
      %mul3A_859 = arith.muli %iota3A_856, %mul3A_858 : vector<8x1x1xi32>
      %add3A_860 = arith.constant 2 : i32
      %add3A_861 = vector.broadcast %add3A_860 : i32 to vector<8x1x1xi32>
      %add3A_862 = arith.addi %mul3A_859, %add3A_861 : vector<8x1x1xi32>
      %eq3A_863 = vector.broadcast %add3A_862 : vector<8x1x1xi32> to vector<8x256x128xi32>
      %eq3A_864 = arith.cmpi eq, %add3A_851, %eq3A_863 : vector<8x256x128xi32>
      %broadcast_in_dim3A_865 = vector.shape_cast %get3A_8 : vector<8x1xf32> to vector<8x1x1xf32>
      %broadcast_in_dim3A_866 = vector.shape_cast %broadcast_in_dim3A_865 : vector<8x1x1xf32> to vector<8x1x1xf32>
      %broadcast_in_dim3A_867 = vector.broadcast %broadcast_in_dim3A_866 : vector<8x1x1xf32> to vector<8x256x128xf32>
      %broadcast_in_dim3A_868 = vector.broadcast %cond3A_216 : f32 to vector<8x256x128xf32>
      %select_n3A_869 = arith.select %eq3A_864, %broadcast_in_dim3A_867, %broadcast_in_dim3A_868 : vector<8x256x128xi1>, vector<8x256x128xf32>
      %broadcast_in_dim3A_870 = vector.shape_cast %broadcast_in_dim3A_855 : vector<8x1x1xi1> to vector<8x1x1xi1>
      %broadcast_in_dim3A_871 = vector.broadcast %broadcast_in_dim3A_870 : vector<8x1x1xi1> to vector<8x256x128xi1>
      %select_n3A_872 = arith.select %broadcast_in_dim3A_871, %select_n3A_869, %add3A_854 : vector<8x256x128xi1>, vector<8x256x128xf32>
      %broadcast_in_dim3A_873 = arith.constant false
      %broadcast_in_dim3A_874 = vector.broadcast %broadcast_in_dim3A_873 : i1 to vector<8x256x128xi1>
      %eq3A_875 = vector.broadcast %get3A_132 : i32 to vector<8x256x128xi32>
      %eq3A_876 = arith.cmpi eq, %add3A_851, %eq3A_875 : vector<8x256x128xi32>
      %or3A_877 = arith.ori %broadcast_in_dim3A_874, %eq3A_876 : vector<8x256x128xi1>
      %broadcast_in_dim3A_878 = vector.broadcast %cond3A_216 : f32 to vector<8x256x128xf32>
      %select_n3A_879 = arith.select %or3A_877, %broadcast_in_dim3A_878, %select_n3A_872 : vector<8x256x128xi1>, vector<8x256x128xf32>
      %reduce_max3A_880 = vector.shape_cast %select_n3A_879 : vector<8x256x128xf32> to vector<1x8x256x128xf32>
      %reduce_max3A_881 = arith.constant dense<0xFF800000> : vector<1xf32>
      %reduce_max3A_882 = vector.multi_reduction <maximumf>, %reduce_max3A_880, %reduce_max3A_881 [1, 2, 3] : vector<1x8x256x128xf32> to vector<1xf32>
      %reduce_max3A_883 = vector.shape_cast %reduce_max3A_882 : vector<1xf32> to vector<1x1x1x1xf32>
      %reduce_max3A_884 = vector.extract %reduce_max3A_883[0, 0, 0, 0] : f32 from vector<1x1x1x1xf32>
      %eq3A_885 = vector.broadcast %reduce_max3A_884 : f32 to vector<8x256x128xf32>
      %eq3A_886 = arith.cmpf oeq, %select_n3A_879, %eq3A_885 : vector<8x256x128xf32>
      %broadcast_in_dim3A_887 = vector.broadcast %cond3A_217 : i32 to vector<8x256x128xi32>
      %select_n3A_888 = arith.select %eq3A_886, %add3A_851, %broadcast_in_dim3A_887 : vector<8x256x128xi1>, vector<8x256x128xi32>
      %reduce_min3A_889 = vector.shape_cast %select_n3A_888 : vector<8x256x128xi32> to vector<1x8x256x128xi32>
      %reduce_min3A_890 = arith.constant dense<2147483647> : vector<1xi32>
      %reduce_min3A_891 = vector.multi_reduction <minsi>, %reduce_min3A_889, %reduce_min3A_890 [1, 2, 3] : vector<1x8x256x128xi32> to vector<1xi32>
      %reduce_min3A_892 = vector.shape_cast %reduce_min3A_891 : vector<1xi32> to vector<1x1x1x1xi32>
      %reduce_min3A_893 = vector.extract %reduce_min3A_892[0, 0, 0, 0] : i32 from vector<1x1x1x1xi32>
      %swap3A_894 = arith.constant 0 : index
      %swap3A_895 = memref.load %arg11[%swap3A_894] : memref<1xf32, #tpu.memory_space<smem>>
      memref.store %reduce_max3A_884, %arg11[%swap3A_894] : memref<1xf32, #tpu.memory_space<smem>>
      %swap3A_896 = arith.constant 0 : index
      %swap3A_897 = memref.load %arg12[%swap3A_896] : memref<1xi32, #tpu.memory_space<smem>>
      memref.store %reduce_min3A_893, %arg12[%swap3A_896] : memref<1xi32, #tpu.memory_space<smem>>
    } else {
    }
    %get3A_220 = arith.constant 0 : index
    %get3A_221 = memref.load %arg11[%get3A_220] : memref<1xf32, #tpu.memory_space<smem>>
    %get3A_222 = arith.constant 0 : index
    %get3A_223 = memref.load %arg12[%get3A_222] : memref<1xi32, #tpu.memory_space<smem>>
    %eq3A_224 = vector.broadcast %get3A_223 : i32 to vector<8x128xi32>
    %eq3A_225 = arith.cmpi eq, %select_n3A_157, %eq3A_224 : vector<8x128xi32>
    %eq3A_226 = arith.constant 1 : i32
    %eq3A_227 = vector.broadcast %eq3A_226 : i32 to vector<8x128xi32>
    %eq3A_228 = arith.cmpi eq, %add3A_155, %eq3A_227 : vector<8x128xi32>
    %and3A_229 = arith.andi %eq3A_225, %eq3A_228 : vector<8x128xi1>
    %reduce_or3A_230 = arith.constant 1.000000e+00 : f32
    %reduce_or3A_231 = arith.constant 0.000000e+00 : f32
    %reduce_or3A_232 = vector.broadcast %reduce_or3A_230 : f32 to vector<8x128xf32>
    %reduce_or3A_233 = vector.broadcast %reduce_or3A_231 : f32 to vector<8x128xf32>
    %reduce_or3A_234 = arith.select %and3A_229, %reduce_or3A_232, %reduce_or3A_233 : vector<8x128xi1>, vector<8x128xf32>
    %reduce_or3A_235 = vector.shape_cast %reduce_or3A_234 : vector<8x128xf32> to vector<1x8x128xf32>
    %reduce_or3A_236 = arith.constant dense<0xFF800000> : vector<1xf32>
    %reduce_or3A_237 = vector.multi_reduction <maximumf>, %reduce_or3A_235, %reduce_or3A_236 [1, 2] : vector<1x8x128xf32> to vector<1xf32>
    %reduce_or3A_238 = vector.shape_cast %reduce_or3A_237 : vector<1xf32> to vector<1x1x1xf32>
    %reduce_or3A_239 = vector.extract %reduce_or3A_238[0, 0, 0] : f32 from vector<1x1x1xf32>
    %reduce_or3A_240 = arith.constant 0.000000e+00 : f32
    %reduce_or3A_241 = arith.cmpf ogt, %reduce_or3A_239, %reduce_or3A_240 : f32
    %and3A_242 = arith.andi %and3A_208, %reduce_or3A_241 : i1
    %max3A_243 = arith.maximumf %select_n3A_153, %get3A_221 : f32
    %select_n3A_244 = arith.select %and3A_242, %max3A_243, %select_n3A_153 : f32
    %convert_element_type3A_245 = arith.extui %eq3A_225 : vector<8x128xi1> to vector<8x128xi32>
    %add3A_246 = arith.addi %add3A_155, %convert_element_type3A_245 : vector<8x128xi32>
    %select_n3A_247 = arith.select %eq3A_225, %select_n3A_160, %select_n3A_156 : vector<8x128xi1>, vector<8x128xf32>
    %select_n3A_248 = arith.select %eq3A_225, %select_n3A_163, %select_n3A_157 : vector<8x128xi1>, vector<8x128xi32>
    %jit3A_249 = arith.constant 0xFF800000 : f32
    %broadcast_in_dim3A_250 = vector.broadcast %jit3A_249 : f32 to vector<8x128xf32>
    %select_n3A_251 = arith.select %eq3A_225, %broadcast_in_dim3A_250, %select_n3A_160 : vector<8x128xi1>, vector<8x128xf32>
    %jit3A_252 = arith.constant 1073741824 : i32
    %broadcast_in_dim3A_253 = vector.broadcast %jit3A_252 : i32 to vector<8x128xi32>
    %select_n3A_254 = arith.select %eq3A_225, %broadcast_in_dim3A_253, %select_n3A_163 : vector<8x128xi1>, vector<8x128xi32>
    %not3A_255 = arith.constant true
    %not3A_256 = arith.xori %and3A_208, %not3A_255 : i1
    %or3A_257 = arith.ori %or3A_166, %not3A_256 : i1
    %and3A_258 = arith.constant 32767 : i32
    %and3A_259 = arith.andi %get3A_223, %and3A_258 : i32
    %shift_right_logical3A_260 = arith.constant 15 : i32
    %shift_right_logical3A_261 = arith.shrui %get3A_223, %shift_right_logical3A_260 : i32
    %eq3A_262 = arith.constant 1 : i32
    %eq3A_263 = vector.broadcast %eq3A_262 : i32 to vector<1x8xi32>
    %eq3A_264 = arith.cmpi eq, %iota3A_99, %eq3A_263 : vector<1x8xi32>
    %broadcast_in_dim3A_265 = vector.broadcast %get3A_221 : f32 to vector<1x8xf32>
    %select_n3A_266 = arith.select %eq3A_264, %broadcast_in_dim3A_265, %select_n3A_174 : vector<1x8xi1>, vector<1x8xf32>
    %eq3A_267 = arith.constant 1 : i32
    %eq3A_268 = vector.broadcast %eq3A_267 : i32 to vector<1x8xi32>
    %eq3A_269 = arith.cmpi eq, %iota3A_99, %eq3A_268 : vector<1x8xi32>
    %broadcast_in_dim3A_270 = vector.broadcast %and3A_259 : i32 to vector<1x8xi32>
    %select_n3A_271 = arith.select %eq3A_269, %broadcast_in_dim3A_270, %select_n3A_179 : vector<1x8xi1>, vector<1x8xi32>
    %eq3A_272 = arith.constant 1 : i32
    %eq3A_273 = vector.broadcast %eq3A_272 : i32 to vector<1x8xi32>
    %eq3A_274 = arith.cmpi eq, %iota3A_99, %eq3A_273 : vector<1x8xi32>
    %mul3A_275 = arith.constant 8 : i32
    %mul3A_276 = arith.muli %arg0, %mul3A_275 : i32
    %add3A_277 = arith.addi %mul3A_276, %shift_right_logical3A_261 : i32
    %broadcast_in_dim3A_278 = vector.broadcast %add3A_277 : i32 to vector<1x8xi32>
    %select_n3A_279 = arith.select %eq3A_274, %broadcast_in_dim3A_278, %select_n3A_187 : vector<1x8xi1>, vector<1x8xi32>
    %eq3A_280 = arith.constant 1 : i32
    %eq3A_281 = vector.broadcast %eq3A_280 : i32 to vector<8x8xi32>
    %eq3A_282 = arith.cmpi eq, %iota3A_100, %eq3A_281 : vector<8x8xi32>
    %eq3A_283 = vector.broadcast %shift_right_logical3A_261 : i32 to vector<8x8xi32>
    %eq3A_284 = arith.cmpi eq, %iota3A_101, %eq3A_283 : vector<8x8xi32>
    %and3A_285 = arith.andi %eq3A_282, %eq3A_284 : vector<8x8xi1>
    %jit3A_286 = arith.constant 1.000000e+00 : f32
    %jit3A_287 = arith.constant 0.000000e+00 : f32
    %broadcast_in_dim3A_288 = vector.broadcast %jit3A_286 : f32 to vector<8x8xf32>
    %broadcast_in_dim3A_289 = vector.broadcast %jit3A_287 : f32 to vector<8x8xf32>
    %select_n3A_290 = arith.select %and3A_285, %broadcast_in_dim3A_288, %broadcast_in_dim3A_289 : vector<8x8xi1>, vector<8x8xf32>
    %add3A_291 = arith.addf %add3A_199, %select_n3A_290 : vector<8x8xf32>
    %reduce_max3A_292 = vector.shape_cast %select_n3A_247 : vector<8x128xf32> to vector<1x8x128xf32>
    %reduce_max3A_293 = arith.constant dense<0xFF800000> : vector<1xf32>
    %reduce_max3A_294 = vector.multi_reduction <maximumf>, %reduce_max3A_292, %reduce_max3A_293 [1, 2] : vector<1x8x128xf32> to vector<1xf32>
    %reduce_max3A_295 = vector.shape_cast %reduce_max3A_294 : vector<1xf32> to vector<1x1x1xf32>
    %reduce_max3A_296 = vector.extract %reduce_max3A_295[0, 0, 0] : f32 from vector<1x1x1xf32>
    %not3A_297 = arith.constant true
    %not3A_298 = arith.xori %or3A_257, %not3A_297 : i1
    %gt3A_299 = arith.cmpf ogt, %reduce_max3A_296, %select_n3A_244 : f32
    %and3A_300 = arith.andi %not3A_298, %gt3A_299 : i1
    %convert_element_type3A_301 = arith.extui %and3A_300 : i1 to i32
    %cond3A_302 = arith.constant 1073741824 : i32
    %cond3A_303 = arith.constant 0 : i32
    %cond3A_304 = arith.cmpi ne, %convert_element_type3A_301, %cond3A_303 : i32
    scf.if %cond3A_304 {
      %eq3A_841 = vector.broadcast %reduce_max3A_296 : f32 to vector<8x128xf32>
      %eq3A_842 = arith.cmpf oeq, %select_n3A_247, %eq3A_841 : vector<8x128xf32>
      %broadcast_in_dim3A_843 = vector.broadcast %cond3A_302 : i32 to vector<8x128xi32>
      %select_n3A_844 = arith.select %eq3A_842, %select_n3A_248, %broadcast_in_dim3A_843 : vector<8x128xi1>, vector<8x128xi32>
      %reduce_min3A_845 = vector.shape_cast %select_n3A_844 : vector<8x128xi32> to vector<1x8x128xi32>
      %reduce_min3A_846 = arith.constant dense<2147483647> : vector<1xi32>
      %reduce_min3A_847 = vector.multi_reduction <minsi>, %reduce_min3A_845, %reduce_min3A_846 [1, 2] : vector<1x8x128xi32> to vector<1xi32>
      %reduce_min3A_848 = vector.shape_cast %reduce_min3A_847 : vector<1xi32> to vector<1x1x1xi32>
      %reduce_min3A_849 = vector.extract %reduce_min3A_848[0, 0, 0] : i32 from vector<1x1x1xi32>
      %swap3A_850 = arith.constant 0 : index
      %swap3A_851 = memref.load %arg11[%swap3A_850] : memref<1xf32, #tpu.memory_space<smem>>
      memref.store %reduce_max3A_296, %arg11[%swap3A_850] : memref<1xf32, #tpu.memory_space<smem>>
      %swap3A_852 = arith.constant 0 : index
      %swap3A_853 = memref.load %arg12[%swap3A_852] : memref<1xi32, #tpu.memory_space<smem>>
      memref.store %reduce_min3A_849, %arg12[%swap3A_852] : memref<1xi32, #tpu.memory_space<smem>>
    } else {
    }
    %not3A_305 = arith.constant true
    %not3A_306 = arith.xori %and3A_300, %not3A_305 : i1
    %convert_element_type3A_307 = arith.extui %not3A_306 : i1 to i32
    %cond3A_308 = arith.constant 0xFF800000 : f32
    %cond3A_309 = arith.constant 1073741824 : i32
    %cond3A_310 = arith.constant 0 : i32
    %cond3A_311 = arith.cmpi ne, %convert_element_type3A_307, %cond3A_310 : i32
    scf.if %cond3A_311 {
      %iota3A_841 = tpu.iota {dimensions = array<i32: 0>} : vector<8x256x128xi32>
      %mul3A_842 = arith.constant 32768 : i32
      %mul3A_843 = vector.broadcast %mul3A_842 : i32 to vector<8x256x128xi32>
      %mul3A_844 = arith.muli %iota3A_841, %mul3A_843 : vector<8x256x128xi32>
      %iota3A_845 = tpu.iota {dimensions = array<i32: 1>} : vector<8x256x128xi32>
      %mul3A_846 = arith.constant 128 : i32
      %mul3A_847 = vector.broadcast %mul3A_846 : i32 to vector<8x256x128xi32>
      %mul3A_848 = arith.muli %iota3A_845, %mul3A_847 : vector<8x256x128xi32>
      %add3A_849 = arith.addi %mul3A_844, %mul3A_848 : vector<8x256x128xi32>
      %iota3A_850 = tpu.iota {dimensions = array<i32: 2>} : vector<8x256x128xi32>
      %add3A_851 = arith.addi %add3A_849, %iota3A_850 : vector<8x256x128xi32>
      %broadcast_in_dim3A_852 = vector.shape_cast %sub3A : vector<8x1xf32> to vector<8x1x1xf32>
      %add3A_853 = vector.broadcast %broadcast_in_dim3A_852 : vector<8x1x1xf32> to vector<8x256x128xf32>
      %add3A_854 = arith.addf %reshape3A, %add3A_853 : vector<8x256x128xf32>
      %broadcast_in_dim3A_855 = vector.shape_cast %gt3A_63 : vector<8x1xi1> to vector<8x1x1xi1>
      %iota3A_856 = tpu.iota {dimensions = array<i32: 0>} : vector<8x1x1xi32>
      %mul3A_857 = arith.constant 32768 : i32
      %mul3A_858 = vector.broadcast %mul3A_857 : i32 to vector<8x1x1xi32>
      %mul3A_859 = arith.muli %iota3A_856, %mul3A_858 : vector<8x1x1xi32>
      %add3A_860 = arith.constant 2 : i32
      %add3A_861 = vector.broadcast %add3A_860 : i32 to vector<8x1x1xi32>
      %add3A_862 = arith.addi %mul3A_859, %add3A_861 : vector<8x1x1xi32>
      %eq3A_863 = vector.broadcast %add3A_862 : vector<8x1x1xi32> to vector<8x256x128xi32>
      %eq3A_864 = arith.cmpi eq, %add3A_851, %eq3A_863 : vector<8x256x128xi32>
      %broadcast_in_dim3A_865 = vector.shape_cast %get3A_8 : vector<8x1xf32> to vector<8x1x1xf32>
      %broadcast_in_dim3A_866 = vector.shape_cast %broadcast_in_dim3A_865 : vector<8x1x1xf32> to vector<8x1x1xf32>
      %broadcast_in_dim3A_867 = vector.broadcast %broadcast_in_dim3A_866 : vector<8x1x1xf32> to vector<8x256x128xf32>
      %broadcast_in_dim3A_868 = vector.broadcast %cond3A_308 : f32 to vector<8x256x128xf32>
      %select_n3A_869 = arith.select %eq3A_864, %broadcast_in_dim3A_867, %broadcast_in_dim3A_868 : vector<8x256x128xi1>, vector<8x256x128xf32>
      %broadcast_in_dim3A_870 = vector.shape_cast %broadcast_in_dim3A_855 : vector<8x1x1xi1> to vector<8x1x1xi1>
      %broadcast_in_dim3A_871 = vector.broadcast %broadcast_in_dim3A_870 : vector<8x1x1xi1> to vector<8x256x128xi1>
      %select_n3A_872 = arith.select %broadcast_in_dim3A_871, %select_n3A_869, %add3A_854 : vector<8x256x128xi1>, vector<8x256x128xf32>
      %broadcast_in_dim3A_873 = arith.constant false
      %broadcast_in_dim3A_874 = vector.broadcast %broadcast_in_dim3A_873 : i1 to vector<8x256x128xi1>
      %eq3A_875 = vector.broadcast %get3A_132 : i32 to vector<8x256x128xi32>
      %eq3A_876 = arith.cmpi eq, %add3A_851, %eq3A_875 : vector<8x256x128xi32>
      %or3A_877 = arith.ori %broadcast_in_dim3A_874, %eq3A_876 : vector<8x256x128xi1>
      %eq3A_878 = vector.broadcast %get3A_223 : i32 to vector<8x256x128xi32>
      %eq3A_879 = arith.cmpi eq, %add3A_851, %eq3A_878 : vector<8x256x128xi32>
      %or3A_880 = arith.ori %or3A_877, %eq3A_879 : vector<8x256x128xi1>
      %broadcast_in_dim3A_881 = vector.broadcast %cond3A_308 : f32 to vector<8x256x128xf32>
      %select_n3A_882 = arith.select %or3A_880, %broadcast_in_dim3A_881, %select_n3A_872 : vector<8x256x128xi1>, vector<8x256x128xf32>
      %reduce_max3A_883 = vector.shape_cast %select_n3A_882 : vector<8x256x128xf32> to vector<1x8x256x128xf32>
      %reduce_max3A_884 = arith.constant dense<0xFF800000> : vector<1xf32>
      %reduce_max3A_885 = vector.multi_reduction <maximumf>, %reduce_max3A_883, %reduce_max3A_884 [1, 2, 3] : vector<1x8x256x128xf32> to vector<1xf32>
      %reduce_max3A_886 = vector.shape_cast %reduce_max3A_885 : vector<1xf32> to vector<1x1x1x1xf32>
      %reduce_max3A_887 = vector.extract %reduce_max3A_886[0, 0, 0, 0] : f32 from vector<1x1x1x1xf32>
      %eq3A_888 = vector.broadcast %reduce_max3A_887 : f32 to vector<8x256x128xf32>
      %eq3A_889 = arith.cmpf oeq, %select_n3A_882, %eq3A_888 : vector<8x256x128xf32>
      %broadcast_in_dim3A_890 = vector.broadcast %cond3A_309 : i32 to vector<8x256x128xi32>
      %select_n3A_891 = arith.select %eq3A_889, %add3A_851, %broadcast_in_dim3A_890 : vector<8x256x128xi1>, vector<8x256x128xi32>
      %reduce_min3A_892 = vector.shape_cast %select_n3A_891 : vector<8x256x128xi32> to vector<1x8x256x128xi32>
      %reduce_min3A_893 = arith.constant dense<2147483647> : vector<1xi32>
      %reduce_min3A_894 = vector.multi_reduction <minsi>, %reduce_min3A_892, %reduce_min3A_893 [1, 2, 3] : vector<1x8x256x128xi32> to vector<1xi32>
      %reduce_min3A_895 = vector.shape_cast %reduce_min3A_894 : vector<1xi32> to vector<1x1x1x1xi32>
      %reduce_min3A_896 = vector.extract %reduce_min3A_895[0, 0, 0, 0] : i32 from vector<1x1x1x1xi32>
      %swap3A_897 = arith.constant 0 : index
      %swap3A_898 = memref.load %arg11[%swap3A_897] : memref<1xf32, #tpu.memory_space<smem>>
      memref.store %reduce_max3A_887, %arg11[%swap3A_897] : memref<1xf32, #tpu.memory_space<smem>>
      %swap3A_899 = arith.constant 0 : index
      %swap3A_900 = memref.load %arg12[%swap3A_899] : memref<1xi32, #tpu.memory_space<smem>>
      memref.store %reduce_min3A_896, %arg12[%swap3A_899] : memref<1xi32, #tpu.memory_space<smem>>
    } else {
    }
    %get3A_312 = arith.constant 0 : index
    %get3A_313 = memref.load %arg11[%get3A_312] : memref<1xf32, #tpu.memory_space<smem>>
    %get3A_314 = arith.constant 0 : index
    %get3A_315 = memref.load %arg12[%get3A_314] : memref<1xi32, #tpu.memory_space<smem>>
    %eq3A_316 = vector.broadcast %get3A_315 : i32 to vector<8x128xi32>
    %eq3A_317 = arith.cmpi eq, %select_n3A_248, %eq3A_316 : vector<8x128xi32>
    %eq3A_318 = arith.constant 1 : i32
    %eq3A_319 = vector.broadcast %eq3A_318 : i32 to vector<8x128xi32>
    %eq3A_320 = arith.cmpi eq, %add3A_246, %eq3A_319 : vector<8x128xi32>
    %and3A_321 = arith.andi %eq3A_317, %eq3A_320 : vector<8x128xi1>
    %reduce_or3A_322 = arith.constant 1.000000e+00 : f32
    %reduce_or3A_323 = arith.constant 0.000000e+00 : f32
    %reduce_or3A_324 = vector.broadcast %reduce_or3A_322 : f32 to vector<8x128xf32>
    %reduce_or3A_325 = vector.broadcast %reduce_or3A_323 : f32 to vector<8x128xf32>
    %reduce_or3A_326 = arith.select %and3A_321, %reduce_or3A_324, %reduce_or3A_325 : vector<8x128xi1>, vector<8x128xf32>
    %reduce_or3A_327 = vector.shape_cast %reduce_or3A_326 : vector<8x128xf32> to vector<1x8x128xf32>
    %reduce_or3A_328 = arith.constant dense<0xFF800000> : vector<1xf32>
    %reduce_or3A_329 = vector.multi_reduction <maximumf>, %reduce_or3A_327, %reduce_or3A_328 [1, 2] : vector<1x8x128xf32> to vector<1xf32>
    %reduce_or3A_330 = vector.shape_cast %reduce_or3A_329 : vector<1xf32> to vector<1x1x1xf32>
    %reduce_or3A_331 = vector.extract %reduce_or3A_330[0, 0, 0] : f32 from vector<1x1x1xf32>
    %reduce_or3A_332 = arith.constant 0.000000e+00 : f32
    %reduce_or3A_333 = arith.cmpf ogt, %reduce_or3A_331, %reduce_or3A_332 : f32
    %and3A_334 = arith.andi %and3A_300, %reduce_or3A_333 : i1
    %max3A_335 = arith.maximumf %select_n3A_244, %get3A_313 : f32
    %select_n3A_336 = arith.select %and3A_334, %max3A_335, %select_n3A_244 : f32
    %convert_element_type3A_337 = arith.extui %eq3A_317 : vector<8x128xi1> to vector<8x128xi32>
    %add3A_338 = arith.addi %add3A_246, %convert_element_type3A_337 : vector<8x128xi32>
    %select_n3A_339 = arith.select %eq3A_317, %select_n3A_251, %select_n3A_247 : vector<8x128xi1>, vector<8x128xf32>
    %select_n3A_340 = arith.select %eq3A_317, %select_n3A_254, %select_n3A_248 : vector<8x128xi1>, vector<8x128xi32>
    %jit3A_341 = arith.constant 0xFF800000 : f32
    %broadcast_in_dim3A_342 = vector.broadcast %jit3A_341 : f32 to vector<8x128xf32>
    %select_n3A_343 = arith.select %eq3A_317, %broadcast_in_dim3A_342, %select_n3A_251 : vector<8x128xi1>, vector<8x128xf32>
    %jit3A_344 = arith.constant 1073741824 : i32
    %broadcast_in_dim3A_345 = vector.broadcast %jit3A_344 : i32 to vector<8x128xi32>
    %select_n3A_346 = arith.select %eq3A_317, %broadcast_in_dim3A_345, %select_n3A_254 : vector<8x128xi1>, vector<8x128xi32>
    %not3A_347 = arith.constant true
    %not3A_348 = arith.xori %and3A_300, %not3A_347 : i1
    %or3A_349 = arith.ori %or3A_257, %not3A_348 : i1
    %and3A_350 = arith.constant 32767 : i32
    %and3A_351 = arith.andi %get3A_315, %and3A_350 : i32
    %shift_right_logical3A_352 = arith.constant 15 : i32
    %shift_right_logical3A_353 = arith.shrui %get3A_315, %shift_right_logical3A_352 : i32
    %eq3A_354 = arith.constant 2 : i32
    %eq3A_355 = vector.broadcast %eq3A_354 : i32 to vector<1x8xi32>
    %eq3A_356 = arith.cmpi eq, %iota3A_99, %eq3A_355 : vector<1x8xi32>
    %broadcast_in_dim3A_357 = vector.broadcast %get3A_313 : f32 to vector<1x8xf32>
    %select_n3A_358 = arith.select %eq3A_356, %broadcast_in_dim3A_357, %select_n3A_266 : vector<1x8xi1>, vector<1x8xf32>
    %eq3A_359 = arith.constant 2 : i32
    %eq3A_360 = vector.broadcast %eq3A_359 : i32 to vector<1x8xi32>
    %eq3A_361 = arith.cmpi eq, %iota3A_99, %eq3A_360 : vector<1x8xi32>
    %broadcast_in_dim3A_362 = vector.broadcast %and3A_351 : i32 to vector<1x8xi32>
    %select_n3A_363 = arith.select %eq3A_361, %broadcast_in_dim3A_362, %select_n3A_271 : vector<1x8xi1>, vector<1x8xi32>
    %eq3A_364 = arith.constant 2 : i32
    %eq3A_365 = vector.broadcast %eq3A_364 : i32 to vector<1x8xi32>
    %eq3A_366 = arith.cmpi eq, %iota3A_99, %eq3A_365 : vector<1x8xi32>
    %mul3A_367 = arith.constant 8 : i32
    %mul3A_368 = arith.muli %arg0, %mul3A_367 : i32
    %add3A_369 = arith.addi %mul3A_368, %shift_right_logical3A_353 : i32
    %broadcast_in_dim3A_370 = vector.broadcast %add3A_369 : i32 to vector<1x8xi32>
    %select_n3A_371 = arith.select %eq3A_366, %broadcast_in_dim3A_370, %select_n3A_279 : vector<1x8xi1>, vector<1x8xi32>
    %eq3A_372 = arith.constant 2 : i32
    %eq3A_373 = vector.broadcast %eq3A_372 : i32 to vector<8x8xi32>
    %eq3A_374 = arith.cmpi eq, %iota3A_100, %eq3A_373 : vector<8x8xi32>
    %eq3A_375 = vector.broadcast %shift_right_logical3A_353 : i32 to vector<8x8xi32>
    %eq3A_376 = arith.cmpi eq, %iota3A_101, %eq3A_375 : vector<8x8xi32>
    %and3A_377 = arith.andi %eq3A_374, %eq3A_376 : vector<8x8xi1>
    %jit3A_378 = arith.constant 1.000000e+00 : f32
    %jit3A_379 = arith.constant 0.000000e+00 : f32
    %broadcast_in_dim3A_380 = vector.broadcast %jit3A_378 : f32 to vector<8x8xf32>
    %broadcast_in_dim3A_381 = vector.broadcast %jit3A_379 : f32 to vector<8x8xf32>
    %select_n3A_382 = arith.select %and3A_377, %broadcast_in_dim3A_380, %broadcast_in_dim3A_381 : vector<8x8xi1>, vector<8x8xf32>
    %add3A_383 = arith.addf %add3A_291, %select_n3A_382 : vector<8x8xf32>
    %reduce_max3A_384 = vector.shape_cast %select_n3A_339 : vector<8x128xf32> to vector<1x8x128xf32>
    %reduce_max3A_385 = arith.constant dense<0xFF800000> : vector<1xf32>
    %reduce_max3A_386 = vector.multi_reduction <maximumf>, %reduce_max3A_384, %reduce_max3A_385 [1, 2] : vector<1x8x128xf32> to vector<1xf32>
    %reduce_max3A_387 = vector.shape_cast %reduce_max3A_386 : vector<1xf32> to vector<1x1x1xf32>
    %reduce_max3A_388 = vector.extract %reduce_max3A_387[0, 0, 0] : f32 from vector<1x1x1xf32>
    %not3A_389 = arith.constant true
    %not3A_390 = arith.xori %or3A_349, %not3A_389 : i1
    %gt3A_391 = arith.cmpf ogt, %reduce_max3A_388, %select_n3A_336 : f32
    %and3A_392 = arith.andi %not3A_390, %gt3A_391 : i1
    %convert_element_type3A_393 = arith.extui %and3A_392 : i1 to i32
    %cond3A_394 = arith.constant 1073741824 : i32
    %cond3A_395 = arith.constant 0 : i32
    %cond3A_396 = arith.cmpi ne, %convert_element_type3A_393, %cond3A_395 : i32
    scf.if %cond3A_396 {
      %eq3A_841 = vector.broadcast %reduce_max3A_388 : f32 to vector<8x128xf32>
      %eq3A_842 = arith.cmpf oeq, %select_n3A_339, %eq3A_841 : vector<8x128xf32>
      %broadcast_in_dim3A_843 = vector.broadcast %cond3A_394 : i32 to vector<8x128xi32>
      %select_n3A_844 = arith.select %eq3A_842, %select_n3A_340, %broadcast_in_dim3A_843 : vector<8x128xi1>, vector<8x128xi32>
      %reduce_min3A_845 = vector.shape_cast %select_n3A_844 : vector<8x128xi32> to vector<1x8x128xi32>
      %reduce_min3A_846 = arith.constant dense<2147483647> : vector<1xi32>
      %reduce_min3A_847 = vector.multi_reduction <minsi>, %reduce_min3A_845, %reduce_min3A_846 [1, 2] : vector<1x8x128xi32> to vector<1xi32>
      %reduce_min3A_848 = vector.shape_cast %reduce_min3A_847 : vector<1xi32> to vector<1x1x1xi32>
      %reduce_min3A_849 = vector.extract %reduce_min3A_848[0, 0, 0] : i32 from vector<1x1x1xi32>
      %swap3A_850 = arith.constant 0 : index
      %swap3A_851 = memref.load %arg11[%swap3A_850] : memref<1xf32, #tpu.memory_space<smem>>
      memref.store %reduce_max3A_388, %arg11[%swap3A_850] : memref<1xf32, #tpu.memory_space<smem>>
      %swap3A_852 = arith.constant 0 : index
      %swap3A_853 = memref.load %arg12[%swap3A_852] : memref<1xi32, #tpu.memory_space<smem>>
      memref.store %reduce_min3A_849, %arg12[%swap3A_852] : memref<1xi32, #tpu.memory_space<smem>>
    } else {
    }
    %not3A_397 = arith.constant true
    %not3A_398 = arith.xori %and3A_392, %not3A_397 : i1
    %convert_element_type3A_399 = arith.extui %not3A_398 : i1 to i32
    %cond3A_400 = arith.constant 0xFF800000 : f32
    %cond3A_401 = arith.constant 1073741824 : i32
    %cond3A_402 = arith.constant 0 : i32
    %cond3A_403 = arith.cmpi ne, %convert_element_type3A_399, %cond3A_402 : i32
    scf.if %cond3A_403 {
      %iota3A_841 = tpu.iota {dimensions = array<i32: 0>} : vector<8x256x128xi32>
      %mul3A_842 = arith.constant 32768 : i32
      %mul3A_843 = vector.broadcast %mul3A_842 : i32 to vector<8x256x128xi32>
      %mul3A_844 = arith.muli %iota3A_841, %mul3A_843 : vector<8x256x128xi32>
      %iota3A_845 = tpu.iota {dimensions = array<i32: 1>} : vector<8x256x128xi32>
      %mul3A_846 = arith.constant 128 : i32
      %mul3A_847 = vector.broadcast %mul3A_846 : i32 to vector<8x256x128xi32>
      %mul3A_848 = arith.muli %iota3A_845, %mul3A_847 : vector<8x256x128xi32>
      %add3A_849 = arith.addi %mul3A_844, %mul3A_848 : vector<8x256x128xi32>
      %iota3A_850 = tpu.iota {dimensions = array<i32: 2>} : vector<8x256x128xi32>
      %add3A_851 = arith.addi %add3A_849, %iota3A_850 : vector<8x256x128xi32>
      %broadcast_in_dim3A_852 = vector.shape_cast %sub3A : vector<8x1xf32> to vector<8x1x1xf32>
      %add3A_853 = vector.broadcast %broadcast_in_dim3A_852 : vector<8x1x1xf32> to vector<8x256x128xf32>
      %add3A_854 = arith.addf %reshape3A, %add3A_853 : vector<8x256x128xf32>
      %broadcast_in_dim3A_855 = vector.shape_cast %gt3A_63 : vector<8x1xi1> to vector<8x1x1xi1>
      %iota3A_856 = tpu.iota {dimensions = array<i32: 0>} : vector<8x1x1xi32>
      %mul3A_857 = arith.constant 32768 : i32
      %mul3A_858 = vector.broadcast %mul3A_857 : i32 to vector<8x1x1xi32>
      %mul3A_859 = arith.muli %iota3A_856, %mul3A_858 : vector<8x1x1xi32>
      %add3A_860 = arith.constant 2 : i32
      %add3A_861 = vector.broadcast %add3A_860 : i32 to vector<8x1x1xi32>
      %add3A_862 = arith.addi %mul3A_859, %add3A_861 : vector<8x1x1xi32>
      %eq3A_863 = vector.broadcast %add3A_862 : vector<8x1x1xi32> to vector<8x256x128xi32>
      %eq3A_864 = arith.cmpi eq, %add3A_851, %eq3A_863 : vector<8x256x128xi32>
      %broadcast_in_dim3A_865 = vector.shape_cast %get3A_8 : vector<8x1xf32> to vector<8x1x1xf32>
      %broadcast_in_dim3A_866 = vector.shape_cast %broadcast_in_dim3A_865 : vector<8x1x1xf32> to vector<8x1x1xf32>
      %broadcast_in_dim3A_867 = vector.broadcast %broadcast_in_dim3A_866 : vector<8x1x1xf32> to vector<8x256x128xf32>
      %broadcast_in_dim3A_868 = vector.broadcast %cond3A_400 : f32 to vector<8x256x128xf32>
      %select_n3A_869 = arith.select %eq3A_864, %broadcast_in_dim3A_867, %broadcast_in_dim3A_868 : vector<8x256x128xi1>, vector<8x256x128xf32>
      %broadcast_in_dim3A_870 = vector.shape_cast %broadcast_in_dim3A_855 : vector<8x1x1xi1> to vector<8x1x1xi1>
      %broadcast_in_dim3A_871 = vector.broadcast %broadcast_in_dim3A_870 : vector<8x1x1xi1> to vector<8x256x128xi1>
      %select_n3A_872 = arith.select %broadcast_in_dim3A_871, %select_n3A_869, %add3A_854 : vector<8x256x128xi1>, vector<8x256x128xf32>
      %broadcast_in_dim3A_873 = arith.constant false
      %broadcast_in_dim3A_874 = vector.broadcast %broadcast_in_dim3A_873 : i1 to vector<8x256x128xi1>
      %eq3A_875 = vector.broadcast %get3A_132 : i32 to vector<8x256x128xi32>
      %eq3A_876 = arith.cmpi eq, %add3A_851, %eq3A_875 : vector<8x256x128xi32>
      %or3A_877 = arith.ori %broadcast_in_dim3A_874, %eq3A_876 : vector<8x256x128xi1>
      %eq3A_878 = vector.broadcast %get3A_223 : i32 to vector<8x256x128xi32>
      %eq3A_879 = arith.cmpi eq, %add3A_851, %eq3A_878 : vector<8x256x128xi32>
      %or3A_880 = arith.ori %or3A_877, %eq3A_879 : vector<8x256x128xi1>
      %eq3A_881 = vector.broadcast %get3A_315 : i32 to vector<8x256x128xi32>
      %eq3A_882 = arith.cmpi eq, %add3A_851, %eq3A_881 : vector<8x256x128xi32>
      %or3A_883 = arith.ori %or3A_880, %eq3A_882 : vector<8x256x128xi1>
      %broadcast_in_dim3A_884 = vector.broadcast %cond3A_400 : f32 to vector<8x256x128xf32>
      %select_n3A_885 = arith.select %or3A_883, %broadcast_in_dim3A_884, %select_n3A_872 : vector<8x256x128xi1>, vector<8x256x128xf32>
      %reduce_max3A_886 = vector.shape_cast %select_n3A_885 : vector<8x256x128xf32> to vector<1x8x256x128xf32>
      %reduce_max3A_887 = arith.constant dense<0xFF800000> : vector<1xf32>
      %reduce_max3A_888 = vector.multi_reduction <maximumf>, %reduce_max3A_886, %reduce_max3A_887 [1, 2, 3] : vector<1x8x256x128xf32> to vector<1xf32>
      %reduce_max3A_889 = vector.shape_cast %reduce_max3A_888 : vector<1xf32> to vector<1x1x1x1xf32>
      %reduce_max3A_890 = vector.extract %reduce_max3A_889[0, 0, 0, 0] : f32 from vector<1x1x1x1xf32>
      %eq3A_891 = vector.broadcast %reduce_max3A_890 : f32 to vector<8x256x128xf32>
      %eq3A_892 = arith.cmpf oeq, %select_n3A_885, %eq3A_891 : vector<8x256x128xf32>
      %broadcast_in_dim3A_893 = vector.broadcast %cond3A_401 : i32 to vector<8x256x128xi32>
      %select_n3A_894 = arith.select %eq3A_892, %add3A_851, %broadcast_in_dim3A_893 : vector<8x256x128xi1>, vector<8x256x128xi32>
      %reduce_min3A_895 = vector.shape_cast %select_n3A_894 : vector<8x256x128xi32> to vector<1x8x256x128xi32>
      %reduce_min3A_896 = arith.constant dense<2147483647> : vector<1xi32>
      %reduce_min3A_897 = vector.multi_reduction <minsi>, %reduce_min3A_895, %reduce_min3A_896 [1, 2, 3] : vector<1x8x256x128xi32> to vector<1xi32>
      %reduce_min3A_898 = vector.shape_cast %reduce_min3A_897 : vector<1xi32> to vector<1x1x1x1xi32>
      %reduce_min3A_899 = vector.extract %reduce_min3A_898[0, 0, 0, 0] : i32 from vector<1x1x1x1xi32>
      %swap3A_900 = arith.constant 0 : index
      %swap3A_901 = memref.load %arg11[%swap3A_900] : memref<1xf32, #tpu.memory_space<smem>>
      memref.store %reduce_max3A_890, %arg11[%swap3A_900] : memref<1xf32, #tpu.memory_space<smem>>
      %swap3A_902 = arith.constant 0 : index
      %swap3A_903 = memref.load %arg12[%swap3A_902] : memref<1xi32, #tpu.memory_space<smem>>
      memref.store %reduce_min3A_899, %arg12[%swap3A_902] : memref<1xi32, #tpu.memory_space<smem>>
    } else {
    }
    %get3A_404 = arith.constant 0 : index
    %get3A_405 = memref.load %arg11[%get3A_404] : memref<1xf32, #tpu.memory_space<smem>>
    %get3A_406 = arith.constant 0 : index
    %get3A_407 = memref.load %arg12[%get3A_406] : memref<1xi32, #tpu.memory_space<smem>>
    %eq3A_408 = vector.broadcast %get3A_407 : i32 to vector<8x128xi32>
    %eq3A_409 = arith.cmpi eq, %select_n3A_340, %eq3A_408 : vector<8x128xi32>
    %eq3A_410 = arith.constant 1 : i32
    %eq3A_411 = vector.broadcast %eq3A_410 : i32 to vector<8x128xi32>
    %eq3A_412 = arith.cmpi eq, %add3A_338, %eq3A_411 : vector<8x128xi32>
    %and3A_413 = arith.andi %eq3A_409, %eq3A_412 : vector<8x128xi1>
    %reduce_or3A_414 = arith.constant 1.000000e+00 : f32
    %reduce_or3A_415 = arith.constant 0.000000e+00 : f32
    %reduce_or3A_416 = vector.broadcast %reduce_or3A_414 : f32 to vector<8x128xf32>
    %reduce_or3A_417 = vector.broadcast %reduce_or3A_415 : f32 to vector<8x128xf32>
    %reduce_or3A_418 = arith.select %and3A_413, %reduce_or3A_416, %reduce_or3A_417 : vector<8x128xi1>, vector<8x128xf32>
    %reduce_or3A_419 = vector.shape_cast %reduce_or3A_418 : vector<8x128xf32> to vector<1x8x128xf32>
    %reduce_or3A_420 = arith.constant dense<0xFF800000> : vector<1xf32>
    %reduce_or3A_421 = vector.multi_reduction <maximumf>, %reduce_or3A_419, %reduce_or3A_420 [1, 2] : vector<1x8x128xf32> to vector<1xf32>
    %reduce_or3A_422 = vector.shape_cast %reduce_or3A_421 : vector<1xf32> to vector<1x1x1xf32>
    %reduce_or3A_423 = vector.extract %reduce_or3A_422[0, 0, 0] : f32 from vector<1x1x1xf32>
    %reduce_or3A_424 = arith.constant 0.000000e+00 : f32
    %reduce_or3A_425 = arith.cmpf ogt, %reduce_or3A_423, %reduce_or3A_424 : f32
    %and3A_426 = arith.andi %and3A_392, %reduce_or3A_425 : i1
    %max3A_427 = arith.maximumf %select_n3A_336, %get3A_405 : f32
    %select_n3A_428 = arith.select %and3A_426, %max3A_427, %select_n3A_336 : f32
    %convert_element_type3A_429 = arith.extui %eq3A_409 : vector<8x128xi1> to vector<8x128xi32>
    %add3A_430 = arith.addi %add3A_338, %convert_element_type3A_429 : vector<8x128xi32>
    %select_n3A_431 = arith.select %eq3A_409, %select_n3A_343, %select_n3A_339 : vector<8x128xi1>, vector<8x128xf32>
    %select_n3A_432 = arith.select %eq3A_409, %select_n3A_346, %select_n3A_340 : vector<8x128xi1>, vector<8x128xi32>
    %jit3A_433 = arith.constant 0xFF800000 : f32
    %broadcast_in_dim3A_434 = vector.broadcast %jit3A_433 : f32 to vector<8x128xf32>
    %select_n3A_435 = arith.select %eq3A_409, %broadcast_in_dim3A_434, %select_n3A_343 : vector<8x128xi1>, vector<8x128xf32>
    %jit3A_436 = arith.constant 1073741824 : i32
    %broadcast_in_dim3A_437 = vector.broadcast %jit3A_436 : i32 to vector<8x128xi32>
    %select_n3A_438 = arith.select %eq3A_409, %broadcast_in_dim3A_437, %select_n3A_346 : vector<8x128xi1>, vector<8x128xi32>
    %not3A_439 = arith.constant true
    %not3A_440 = arith.xori %and3A_392, %not3A_439 : i1
    %or3A_441 = arith.ori %or3A_349, %not3A_440 : i1
    %and3A_442 = arith.constant 32767 : i32
    %and3A_443 = arith.andi %get3A_407, %and3A_442 : i32
    %shift_right_logical3A_444 = arith.constant 15 : i32
    %shift_right_logical3A_445 = arith.shrui %get3A_407, %shift_right_logical3A_444 : i32
    %eq3A_446 = arith.constant 3 : i32
    %eq3A_447 = vector.broadcast %eq3A_446 : i32 to vector<1x8xi32>
    %eq3A_448 = arith.cmpi eq, %iota3A_99, %eq3A_447 : vector<1x8xi32>
    %broadcast_in_dim3A_449 = vector.broadcast %get3A_405 : f32 to vector<1x8xf32>
    %select_n3A_450 = arith.select %eq3A_448, %broadcast_in_dim3A_449, %select_n3A_358 : vector<1x8xi1>, vector<1x8xf32>
    %eq3A_451 = arith.constant 3 : i32
    %eq3A_452 = vector.broadcast %eq3A_451 : i32 to vector<1x8xi32>
    %eq3A_453 = arith.cmpi eq, %iota3A_99, %eq3A_452 : vector<1x8xi32>
    %broadcast_in_dim3A_454 = vector.broadcast %and3A_443 : i32 to vector<1x8xi32>
    %select_n3A_455 = arith.select %eq3A_453, %broadcast_in_dim3A_454, %select_n3A_363 : vector<1x8xi1>, vector<1x8xi32>
    %eq3A_456 = arith.constant 3 : i32
    %eq3A_457 = vector.broadcast %eq3A_456 : i32 to vector<1x8xi32>
    %eq3A_458 = arith.cmpi eq, %iota3A_99, %eq3A_457 : vector<1x8xi32>
    %mul3A_459 = arith.constant 8 : i32
    %mul3A_460 = arith.muli %arg0, %mul3A_459 : i32
    %add3A_461 = arith.addi %mul3A_460, %shift_right_logical3A_445 : i32
    %broadcast_in_dim3A_462 = vector.broadcast %add3A_461 : i32 to vector<1x8xi32>
    %select_n3A_463 = arith.select %eq3A_458, %broadcast_in_dim3A_462, %select_n3A_371 : vector<1x8xi1>, vector<1x8xi32>
    %eq3A_464 = arith.constant 3 : i32
    %eq3A_465 = vector.broadcast %eq3A_464 : i32 to vector<8x8xi32>
    %eq3A_466 = arith.cmpi eq, %iota3A_100, %eq3A_465 : vector<8x8xi32>
    %eq3A_467 = vector.broadcast %shift_right_logical3A_445 : i32 to vector<8x8xi32>
    %eq3A_468 = arith.cmpi eq, %iota3A_101, %eq3A_467 : vector<8x8xi32>
    %and3A_469 = arith.andi %eq3A_466, %eq3A_468 : vector<8x8xi1>
    %jit3A_470 = arith.constant 1.000000e+00 : f32
    %jit3A_471 = arith.constant 0.000000e+00 : f32
    %broadcast_in_dim3A_472 = vector.broadcast %jit3A_470 : f32 to vector<8x8xf32>
    %broadcast_in_dim3A_473 = vector.broadcast %jit3A_471 : f32 to vector<8x8xf32>
    %select_n3A_474 = arith.select %and3A_469, %broadcast_in_dim3A_472, %broadcast_in_dim3A_473 : vector<8x8xi1>, vector<8x8xf32>
    %add3A_475 = arith.addf %add3A_383, %select_n3A_474 : vector<8x8xf32>
    %reduce_max3A_476 = vector.shape_cast %select_n3A_431 : vector<8x128xf32> to vector<1x8x128xf32>
    %reduce_max3A_477 = arith.constant dense<0xFF800000> : vector<1xf32>
    %reduce_max3A_478 = vector.multi_reduction <maximumf>, %reduce_max3A_476, %reduce_max3A_477 [1, 2] : vector<1x8x128xf32> to vector<1xf32>
    %reduce_max3A_479 = vector.shape_cast %reduce_max3A_478 : vector<1xf32> to vector<1x1x1xf32>
    %reduce_max3A_480 = vector.extract %reduce_max3A_479[0, 0, 0] : f32 from vector<1x1x1xf32>
    %not3A_481 = arith.constant true
    %not3A_482 = arith.xori %or3A_441, %not3A_481 : i1
    %gt3A_483 = arith.cmpf ogt, %reduce_max3A_480, %select_n3A_428 : f32
    %and3A_484 = arith.andi %not3A_482, %gt3A_483 : i1
    %convert_element_type3A_485 = arith.extui %and3A_484 : i1 to i32
    %cond3A_486 = arith.constant 1073741824 : i32
    %cond3A_487 = arith.constant 0 : i32
    %cond3A_488 = arith.cmpi ne, %convert_element_type3A_485, %cond3A_487 : i32
    scf.if %cond3A_488 {
      %eq3A_841 = vector.broadcast %reduce_max3A_480 : f32 to vector<8x128xf32>
      %eq3A_842 = arith.cmpf oeq, %select_n3A_431, %eq3A_841 : vector<8x128xf32>
      %broadcast_in_dim3A_843 = vector.broadcast %cond3A_486 : i32 to vector<8x128xi32>
      %select_n3A_844 = arith.select %eq3A_842, %select_n3A_432, %broadcast_in_dim3A_843 : vector<8x128xi1>, vector<8x128xi32>
      %reduce_min3A_845 = vector.shape_cast %select_n3A_844 : vector<8x128xi32> to vector<1x8x128xi32>
      %reduce_min3A_846 = arith.constant dense<2147483647> : vector<1xi32>
      %reduce_min3A_847 = vector.multi_reduction <minsi>, %reduce_min3A_845, %reduce_min3A_846 [1, 2] : vector<1x8x128xi32> to vector<1xi32>
      %reduce_min3A_848 = vector.shape_cast %reduce_min3A_847 : vector<1xi32> to vector<1x1x1xi32>
      %reduce_min3A_849 = vector.extract %reduce_min3A_848[0, 0, 0] : i32 from vector<1x1x1xi32>
      %swap3A_850 = arith.constant 0 : index
      %swap3A_851 = memref.load %arg11[%swap3A_850] : memref<1xf32, #tpu.memory_space<smem>>
      memref.store %reduce_max3A_480, %arg11[%swap3A_850] : memref<1xf32, #tpu.memory_space<smem>>
      %swap3A_852 = arith.constant 0 : index
      %swap3A_853 = memref.load %arg12[%swap3A_852] : memref<1xi32, #tpu.memory_space<smem>>
      memref.store %reduce_min3A_849, %arg12[%swap3A_852] : memref<1xi32, #tpu.memory_space<smem>>
    } else {
    }
    %not3A_489 = arith.constant true
    %not3A_490 = arith.xori %and3A_484, %not3A_489 : i1
    %convert_element_type3A_491 = arith.extui %not3A_490 : i1 to i32
    %cond3A_492 = arith.constant 0xFF800000 : f32
    %cond3A_493 = arith.constant 1073741824 : i32
    %cond3A_494 = arith.constant 0 : i32
    %cond3A_495 = arith.cmpi ne, %convert_element_type3A_491, %cond3A_494 : i32
    scf.if %cond3A_495 {
      %iota3A_841 = tpu.iota {dimensions = array<i32: 0>} : vector<8x256x128xi32>
      %mul3A_842 = arith.constant 32768 : i32
      %mul3A_843 = vector.broadcast %mul3A_842 : i32 to vector<8x256x128xi32>
      %mul3A_844 = arith.muli %iota3A_841, %mul3A_843 : vector<8x256x128xi32>
      %iota3A_845 = tpu.iota {dimensions = array<i32: 1>} : vector<8x256x128xi32>
      %mul3A_846 = arith.constant 128 : i32
      %mul3A_847 = vector.broadcast %mul3A_846 : i32 to vector<8x256x128xi32>
      %mul3A_848 = arith.muli %iota3A_845, %mul3A_847 : vector<8x256x128xi32>
      %add3A_849 = arith.addi %mul3A_844, %mul3A_848 : vector<8x256x128xi32>
      %iota3A_850 = tpu.iota {dimensions = array<i32: 2>} : vector<8x256x128xi32>
      %add3A_851 = arith.addi %add3A_849, %iota3A_850 : vector<8x256x128xi32>
      %broadcast_in_dim3A_852 = vector.shape_cast %sub3A : vector<8x1xf32> to vector<8x1x1xf32>
      %add3A_853 = vector.broadcast %broadcast_in_dim3A_852 : vector<8x1x1xf32> to vector<8x256x128xf32>
      %add3A_854 = arith.addf %reshape3A, %add3A_853 : vector<8x256x128xf32>
      %broadcast_in_dim3A_855 = vector.shape_cast %gt3A_63 : vector<8x1xi1> to vector<8x1x1xi1>
      %iota3A_856 = tpu.iota {dimensions = array<i32: 0>} : vector<8x1x1xi32>
      %mul3A_857 = arith.constant 32768 : i32
      %mul3A_858 = vector.broadcast %mul3A_857 : i32 to vector<8x1x1xi32>
      %mul3A_859 = arith.muli %iota3A_856, %mul3A_858 : vector<8x1x1xi32>
      %add3A_860 = arith.constant 2 : i32
      %add3A_861 = vector.broadcast %add3A_860 : i32 to vector<8x1x1xi32>
      %add3A_862 = arith.addi %mul3A_859, %add3A_861 : vector<8x1x1xi32>
      %eq3A_863 = vector.broadcast %add3A_862 : vector<8x1x1xi32> to vector<8x256x128xi32>
      %eq3A_864 = arith.cmpi eq, %add3A_851, %eq3A_863 : vector<8x256x128xi32>
      %broadcast_in_dim3A_865 = vector.shape_cast %get3A_8 : vector<8x1xf32> to vector<8x1x1xf32>
      %broadcast_in_dim3A_866 = vector.shape_cast %broadcast_in_dim3A_865 : vector<8x1x1xf32> to vector<8x1x1xf32>
      %broadcast_in_dim3A_867 = vector.broadcast %broadcast_in_dim3A_866 : vector<8x1x1xf32> to vector<8x256x128xf32>
      %broadcast_in_dim3A_868 = vector.broadcast %cond3A_492 : f32 to vector<8x256x128xf32>
      %select_n3A_869 = arith.select %eq3A_864, %broadcast_in_dim3A_867, %broadcast_in_dim3A_868 : vector<8x256x128xi1>, vector<8x256x128xf32>
      %broadcast_in_dim3A_870 = vector.shape_cast %broadcast_in_dim3A_855 : vector<8x1x1xi1> to vector<8x1x1xi1>
      %broadcast_in_dim3A_871 = vector.broadcast %broadcast_in_dim3A_870 : vector<8x1x1xi1> to vector<8x256x128xi1>
      %select_n3A_872 = arith.select %broadcast_in_dim3A_871, %select_n3A_869, %add3A_854 : vector<8x256x128xi1>, vector<8x256x128xf32>
      %broadcast_in_dim3A_873 = arith.constant false
      %broadcast_in_dim3A_874 = vector.broadcast %broadcast_in_dim3A_873 : i1 to vector<8x256x128xi1>
      %eq3A_875 = vector.broadcast %get3A_132 : i32 to vector<8x256x128xi32>
      %eq3A_876 = arith.cmpi eq, %add3A_851, %eq3A_875 : vector<8x256x128xi32>
      %or3A_877 = arith.ori %broadcast_in_dim3A_874, %eq3A_876 : vector<8x256x128xi1>
      %eq3A_878 = vector.broadcast %get3A_223 : i32 to vector<8x256x128xi32>
      %eq3A_879 = arith.cmpi eq, %add3A_851, %eq3A_878 : vector<8x256x128xi32>
      %or3A_880 = arith.ori %or3A_877, %eq3A_879 : vector<8x256x128xi1>
      %eq3A_881 = vector.broadcast %get3A_315 : i32 to vector<8x256x128xi32>
      %eq3A_882 = arith.cmpi eq, %add3A_851, %eq3A_881 : vector<8x256x128xi32>
      %or3A_883 = arith.ori %or3A_880, %eq3A_882 : vector<8x256x128xi1>
      %eq3A_884 = vector.broadcast %get3A_407 : i32 to vector<8x256x128xi32>
      %eq3A_885 = arith.cmpi eq, %add3A_851, %eq3A_884 : vector<8x256x128xi32>
      %or3A_886 = arith.ori %or3A_883, %eq3A_885 : vector<8x256x128xi1>
      %broadcast_in_dim3A_887 = vector.broadcast %cond3A_492 : f32 to vector<8x256x128xf32>
      %select_n3A_888 = arith.select %or3A_886, %broadcast_in_dim3A_887, %select_n3A_872 : vector<8x256x128xi1>, vector<8x256x128xf32>
      %reduce_max3A_889 = vector.shape_cast %select_n3A_888 : vector<8x256x128xf32> to vector<1x8x256x128xf32>
      %reduce_max3A_890 = arith.constant dense<0xFF800000> : vector<1xf32>
      %reduce_max3A_891 = vector.multi_reduction <maximumf>, %reduce_max3A_889, %reduce_max3A_890 [1, 2, 3] : vector<1x8x256x128xf32> to vector<1xf32>
      %reduce_max3A_892 = vector.shape_cast %reduce_max3A_891 : vector<1xf32> to vector<1x1x1x1xf32>
      %reduce_max3A_893 = vector.extract %reduce_max3A_892[0, 0, 0, 0] : f32 from vector<1x1x1x1xf32>
      %eq3A_894 = vector.broadcast %reduce_max3A_893 : f32 to vector<8x256x128xf32>
      %eq3A_895 = arith.cmpf oeq, %select_n3A_888, %eq3A_894 : vector<8x256x128xf32>
      %broadcast_in_dim3A_896 = vector.broadcast %cond3A_493 : i32 to vector<8x256x128xi32>
      %select_n3A_897 = arith.select %eq3A_895, %add3A_851, %broadcast_in_dim3A_896 : vector<8x256x128xi1>, vector<8x256x128xi32>
      %reduce_min3A_898 = vector.shape_cast %select_n3A_897 : vector<8x256x128xi32> to vector<1x8x256x128xi32>
      %reduce_min3A_899 = arith.constant dense<2147483647> : vector<1xi32>
      %reduce_min3A_900 = vector.multi_reduction <minsi>, %reduce_min3A_898, %reduce_min3A_899 [1, 2, 3] : vector<1x8x256x128xi32> to vector<1xi32>
      %reduce_min3A_901 = vector.shape_cast %reduce_min3A_900 : vector<1xi32> to vector<1x1x1x1xi32>
      %reduce_min3A_902 = vector.extract %reduce_min3A_901[0, 0, 0, 0] : i32 from vector<1x1x1x1xi32>
      %swap3A_903 = arith.constant 0 : index
      %swap3A_904 = memref.load %arg11[%swap3A_903] : memref<1xf32, #tpu.memory_space<smem>>
      memref.store %reduce_max3A_893, %arg11[%swap3A_903] : memref<1xf32, #tpu.memory_space<smem>>
      %swap3A_905 = arith.constant 0 : index
      %swap3A_906 = memref.load %arg12[%swap3A_905] : memref<1xi32, #tpu.memory_space<smem>>
      memref.store %reduce_min3A_902, %arg12[%swap3A_905] : memref<1xi32, #tpu.memory_space<smem>>
    } else {
    }
    %get3A_496 = arith.constant 0 : index
    %get3A_497 = memref.load %arg11[%get3A_496] : memref<1xf32, #tpu.memory_space<smem>>
    %get3A_498 = arith.constant 0 : index
    %get3A_499 = memref.load %arg12[%get3A_498] : memref<1xi32, #tpu.memory_space<smem>>
    %eq3A_500 = vector.broadcast %get3A_499 : i32 to vector<8x128xi32>
    %eq3A_501 = arith.cmpi eq, %select_n3A_432, %eq3A_500 : vector<8x128xi32>
    %eq3A_502 = arith.constant 1 : i32
    %eq3A_503 = vector.broadcast %eq3A_502 : i32 to vector<8x128xi32>
    %eq3A_504 = arith.cmpi eq, %add3A_430, %eq3A_503 : vector<8x128xi32>
    %and3A_505 = arith.andi %eq3A_501, %eq3A_504 : vector<8x128xi1>
    %reduce_or3A_506 = arith.constant 1.000000e+00 : f32
    %reduce_or3A_507 = arith.constant 0.000000e+00 : f32
    %reduce_or3A_508 = vector.broadcast %reduce_or3A_506 : f32 to vector<8x128xf32>
    %reduce_or3A_509 = vector.broadcast %reduce_or3A_507 : f32 to vector<8x128xf32>
    %reduce_or3A_510 = arith.select %and3A_505, %reduce_or3A_508, %reduce_or3A_509 : vector<8x128xi1>, vector<8x128xf32>
    %reduce_or3A_511 = vector.shape_cast %reduce_or3A_510 : vector<8x128xf32> to vector<1x8x128xf32>
    %reduce_or3A_512 = arith.constant dense<0xFF800000> : vector<1xf32>
    %reduce_or3A_513 = vector.multi_reduction <maximumf>, %reduce_or3A_511, %reduce_or3A_512 [1, 2] : vector<1x8x128xf32> to vector<1xf32>
    %reduce_or3A_514 = vector.shape_cast %reduce_or3A_513 : vector<1xf32> to vector<1x1x1xf32>
    %reduce_or3A_515 = vector.extract %reduce_or3A_514[0, 0, 0] : f32 from vector<1x1x1xf32>
    %reduce_or3A_516 = arith.constant 0.000000e+00 : f32
    %reduce_or3A_517 = arith.cmpf ogt, %reduce_or3A_515, %reduce_or3A_516 : f32
    %and3A_518 = arith.andi %and3A_484, %reduce_or3A_517 : i1
    %max3A_519 = arith.maximumf %select_n3A_428, %get3A_497 : f32
    %select_n3A_520 = arith.select %and3A_518, %max3A_519, %select_n3A_428 : f32
    %convert_element_type3A_521 = arith.extui %eq3A_501 : vector<8x128xi1> to vector<8x128xi32>
    %add3A_522 = arith.addi %add3A_430, %convert_element_type3A_521 : vector<8x128xi32>
    %select_n3A_523 = arith.select %eq3A_501, %select_n3A_435, %select_n3A_431 : vector<8x128xi1>, vector<8x128xf32>
    %select_n3A_524 = arith.select %eq3A_501, %select_n3A_438, %select_n3A_432 : vector<8x128xi1>, vector<8x128xi32>
    %jit3A_525 = arith.constant 0xFF800000 : f32
    %broadcast_in_dim3A_526 = vector.broadcast %jit3A_525 : f32 to vector<8x128xf32>
    %select_n3A_527 = arith.select %eq3A_501, %broadcast_in_dim3A_526, %select_n3A_435 : vector<8x128xi1>, vector<8x128xf32>
    %jit3A_528 = arith.constant 1073741824 : i32
    %broadcast_in_dim3A_529 = vector.broadcast %jit3A_528 : i32 to vector<8x128xi32>
    %select_n3A_530 = arith.select %eq3A_501, %broadcast_in_dim3A_529, %select_n3A_438 : vector<8x128xi1>, vector<8x128xi32>
    %not3A_531 = arith.constant true
    %not3A_532 = arith.xori %and3A_484, %not3A_531 : i1
    %or3A_533 = arith.ori %or3A_441, %not3A_532 : i1
    %and3A_534 = arith.constant 32767 : i32
    %and3A_535 = arith.andi %get3A_499, %and3A_534 : i32
    %shift_right_logical3A_536 = arith.constant 15 : i32
    %shift_right_logical3A_537 = arith.shrui %get3A_499, %shift_right_logical3A_536 : i32
    %eq3A_538 = arith.constant 4 : i32
    %eq3A_539 = vector.broadcast %eq3A_538 : i32 to vector<1x8xi32>
    %eq3A_540 = arith.cmpi eq, %iota3A_99, %eq3A_539 : vector<1x8xi32>
    %broadcast_in_dim3A_541 = vector.broadcast %get3A_497 : f32 to vector<1x8xf32>
    %select_n3A_542 = arith.select %eq3A_540, %broadcast_in_dim3A_541, %select_n3A_450 : vector<1x8xi1>, vector<1x8xf32>
    %eq3A_543 = arith.constant 4 : i32
    %eq3A_544 = vector.broadcast %eq3A_543 : i32 to vector<1x8xi32>
    %eq3A_545 = arith.cmpi eq, %iota3A_99, %eq3A_544 : vector<1x8xi32>
    %broadcast_in_dim3A_546 = vector.broadcast %and3A_535 : i32 to vector<1x8xi32>
    %select_n3A_547 = arith.select %eq3A_545, %broadcast_in_dim3A_546, %select_n3A_455 : vector<1x8xi1>, vector<1x8xi32>
    %eq3A_548 = arith.constant 4 : i32
    %eq3A_549 = vector.broadcast %eq3A_548 : i32 to vector<1x8xi32>
    %eq3A_550 = arith.cmpi eq, %iota3A_99, %eq3A_549 : vector<1x8xi32>
    %mul3A_551 = arith.constant 8 : i32
    %mul3A_552 = arith.muli %arg0, %mul3A_551 : i32
    %add3A_553 = arith.addi %mul3A_552, %shift_right_logical3A_537 : i32
    %broadcast_in_dim3A_554 = vector.broadcast %add3A_553 : i32 to vector<1x8xi32>
    %select_n3A_555 = arith.select %eq3A_550, %broadcast_in_dim3A_554, %select_n3A_463 : vector<1x8xi1>, vector<1x8xi32>
    %eq3A_556 = arith.constant 4 : i32
    %eq3A_557 = vector.broadcast %eq3A_556 : i32 to vector<8x8xi32>
    %eq3A_558 = arith.cmpi eq, %iota3A_100, %eq3A_557 : vector<8x8xi32>
    %eq3A_559 = vector.broadcast %shift_right_logical3A_537 : i32 to vector<8x8xi32>
    %eq3A_560 = arith.cmpi eq, %iota3A_101, %eq3A_559 : vector<8x8xi32>
    %and3A_561 = arith.andi %eq3A_558, %eq3A_560 : vector<8x8xi1>
    %jit3A_562 = arith.constant 1.000000e+00 : f32
    %jit3A_563 = arith.constant 0.000000e+00 : f32
    %broadcast_in_dim3A_564 = vector.broadcast %jit3A_562 : f32 to vector<8x8xf32>
    %broadcast_in_dim3A_565 = vector.broadcast %jit3A_563 : f32 to vector<8x8xf32>
    %select_n3A_566 = arith.select %and3A_561, %broadcast_in_dim3A_564, %broadcast_in_dim3A_565 : vector<8x8xi1>, vector<8x8xf32>
    %add3A_567 = arith.addf %add3A_475, %select_n3A_566 : vector<8x8xf32>
    %reduce_max3A_568 = vector.shape_cast %select_n3A_523 : vector<8x128xf32> to vector<1x8x128xf32>
    %reduce_max3A_569 = arith.constant dense<0xFF800000> : vector<1xf32>
    %reduce_max3A_570 = vector.multi_reduction <maximumf>, %reduce_max3A_568, %reduce_max3A_569 [1, 2] : vector<1x8x128xf32> to vector<1xf32>
    %reduce_max3A_571 = vector.shape_cast %reduce_max3A_570 : vector<1xf32> to vector<1x1x1xf32>
    %reduce_max3A_572 = vector.extract %reduce_max3A_571[0, 0, 0] : f32 from vector<1x1x1xf32>
    %not3A_573 = arith.constant true
    %not3A_574 = arith.xori %or3A_533, %not3A_573 : i1
    %gt3A_575 = arith.cmpf ogt, %reduce_max3A_572, %select_n3A_520 : f32
    %and3A_576 = arith.andi %not3A_574, %gt3A_575 : i1
    %convert_element_type3A_577 = arith.extui %and3A_576 : i1 to i32
    %cond3A_578 = arith.constant 1073741824 : i32
    %cond3A_579 = arith.constant 0 : i32
    %cond3A_580 = arith.cmpi ne, %convert_element_type3A_577, %cond3A_579 : i32
    scf.if %cond3A_580 {
      %eq3A_841 = vector.broadcast %reduce_max3A_572 : f32 to vector<8x128xf32>
      %eq3A_842 = arith.cmpf oeq, %select_n3A_523, %eq3A_841 : vector<8x128xf32>
      %broadcast_in_dim3A_843 = vector.broadcast %cond3A_578 : i32 to vector<8x128xi32>
      %select_n3A_844 = arith.select %eq3A_842, %select_n3A_524, %broadcast_in_dim3A_843 : vector<8x128xi1>, vector<8x128xi32>
      %reduce_min3A_845 = vector.shape_cast %select_n3A_844 : vector<8x128xi32> to vector<1x8x128xi32>
      %reduce_min3A_846 = arith.constant dense<2147483647> : vector<1xi32>
      %reduce_min3A_847 = vector.multi_reduction <minsi>, %reduce_min3A_845, %reduce_min3A_846 [1, 2] : vector<1x8x128xi32> to vector<1xi32>
      %reduce_min3A_848 = vector.shape_cast %reduce_min3A_847 : vector<1xi32> to vector<1x1x1xi32>
      %reduce_min3A_849 = vector.extract %reduce_min3A_848[0, 0, 0] : i32 from vector<1x1x1xi32>
      %swap3A_850 = arith.constant 0 : index
      %swap3A_851 = memref.load %arg11[%swap3A_850] : memref<1xf32, #tpu.memory_space<smem>>
      memref.store %reduce_max3A_572, %arg11[%swap3A_850] : memref<1xf32, #tpu.memory_space<smem>>
      %swap3A_852 = arith.constant 0 : index
      %swap3A_853 = memref.load %arg12[%swap3A_852] : memref<1xi32, #tpu.memory_space<smem>>
      memref.store %reduce_min3A_849, %arg12[%swap3A_852] : memref<1xi32, #tpu.memory_space<smem>>
    } else {
    }
    %not3A_581 = arith.constant true
    %not3A_582 = arith.xori %and3A_576, %not3A_581 : i1
    %convert_element_type3A_583 = arith.extui %not3A_582 : i1 to i32
    %cond3A_584 = arith.constant 0xFF800000 : f32
    %cond3A_585 = arith.constant 1073741824 : i32
    %cond3A_586 = arith.constant 0 : i32
    %cond3A_587 = arith.cmpi ne, %convert_element_type3A_583, %cond3A_586 : i32
    scf.if %cond3A_587 {
      %iota3A_841 = tpu.iota {dimensions = array<i32: 0>} : vector<8x256x128xi32>
      %mul3A_842 = arith.constant 32768 : i32
      %mul3A_843 = vector.broadcast %mul3A_842 : i32 to vector<8x256x128xi32>
      %mul3A_844 = arith.muli %iota3A_841, %mul3A_843 : vector<8x256x128xi32>
      %iota3A_845 = tpu.iota {dimensions = array<i32: 1>} : vector<8x256x128xi32>
      %mul3A_846 = arith.constant 128 : i32
      %mul3A_847 = vector.broadcast %mul3A_846 : i32 to vector<8x256x128xi32>
      %mul3A_848 = arith.muli %iota3A_845, %mul3A_847 : vector<8x256x128xi32>
      %add3A_849 = arith.addi %mul3A_844, %mul3A_848 : vector<8x256x128xi32>
      %iota3A_850 = tpu.iota {dimensions = array<i32: 2>} : vector<8x256x128xi32>
      %add3A_851 = arith.addi %add3A_849, %iota3A_850 : vector<8x256x128xi32>
      %broadcast_in_dim3A_852 = vector.shape_cast %sub3A : vector<8x1xf32> to vector<8x1x1xf32>
      %add3A_853 = vector.broadcast %broadcast_in_dim3A_852 : vector<8x1x1xf32> to vector<8x256x128xf32>
      %add3A_854 = arith.addf %reshape3A, %add3A_853 : vector<8x256x128xf32>
      %broadcast_in_dim3A_855 = vector.shape_cast %gt3A_63 : vector<8x1xi1> to vector<8x1x1xi1>
      %iota3A_856 = tpu.iota {dimensions = array<i32: 0>} : vector<8x1x1xi32>
      %mul3A_857 = arith.constant 32768 : i32
      %mul3A_858 = vector.broadcast %mul3A_857 : i32 to vector<8x1x1xi32>
      %mul3A_859 = arith.muli %iota3A_856, %mul3A_858 : vector<8x1x1xi32>
      %add3A_860 = arith.constant 2 : i32
      %add3A_861 = vector.broadcast %add3A_860 : i32 to vector<8x1x1xi32>
      %add3A_862 = arith.addi %mul3A_859, %add3A_861 : vector<8x1x1xi32>
      %eq3A_863 = vector.broadcast %add3A_862 : vector<8x1x1xi32> to vector<8x256x128xi32>
      %eq3A_864 = arith.cmpi eq, %add3A_851, %eq3A_863 : vector<8x256x128xi32>
      %broadcast_in_dim3A_865 = vector.shape_cast %get3A_8 : vector<8x1xf32> to vector<8x1x1xf32>
      %broadcast_in_dim3A_866 = vector.shape_cast %broadcast_in_dim3A_865 : vector<8x1x1xf32> to vector<8x1x1xf32>
      %broadcast_in_dim3A_867 = vector.broadcast %broadcast_in_dim3A_866 : vector<8x1x1xf32> to vector<8x256x128xf32>
      %broadcast_in_dim3A_868 = vector.broadcast %cond3A_584 : f32 to vector<8x256x128xf32>
      %select_n3A_869 = arith.select %eq3A_864, %broadcast_in_dim3A_867, %broadcast_in_dim3A_868 : vector<8x256x128xi1>, vector<8x256x128xf32>
      %broadcast_in_dim3A_870 = vector.shape_cast %broadcast_in_dim3A_855 : vector<8x1x1xi1> to vector<8x1x1xi1>
      %broadcast_in_dim3A_871 = vector.broadcast %broadcast_in_dim3A_870 : vector<8x1x1xi1> to vector<8x256x128xi1>
      %select_n3A_872 = arith.select %broadcast_in_dim3A_871, %select_n3A_869, %add3A_854 : vector<8x256x128xi1>, vector<8x256x128xf32>
      %broadcast_in_dim3A_873 = arith.constant false
      %broadcast_in_dim3A_874 = vector.broadcast %broadcast_in_dim3A_873 : i1 to vector<8x256x128xi1>
      %eq3A_875 = vector.broadcast %get3A_132 : i32 to vector<8x256x128xi32>
      %eq3A_876 = arith.cmpi eq, %add3A_851, %eq3A_875 : vector<8x256x128xi32>
      %or3A_877 = arith.ori %broadcast_in_dim3A_874, %eq3A_876 : vector<8x256x128xi1>
      %eq3A_878 = vector.broadcast %get3A_223 : i32 to vector<8x256x128xi32>
      %eq3A_879 = arith.cmpi eq, %add3A_851, %eq3A_878 : vector<8x256x128xi32>
      %or3A_880 = arith.ori %or3A_877, %eq3A_879 : vector<8x256x128xi1>
      %eq3A_881 = vector.broadcast %get3A_315 : i32 to vector<8x256x128xi32>
      %eq3A_882 = arith.cmpi eq, %add3A_851, %eq3A_881 : vector<8x256x128xi32>
      %or3A_883 = arith.ori %or3A_880, %eq3A_882 : vector<8x256x128xi1>
      %eq3A_884 = vector.broadcast %get3A_407 : i32 to vector<8x256x128xi32>
      %eq3A_885 = arith.cmpi eq, %add3A_851, %eq3A_884 : vector<8x256x128xi32>
      %or3A_886 = arith.ori %or3A_883, %eq3A_885 : vector<8x256x128xi1>
      %eq3A_887 = vector.broadcast %get3A_499 : i32 to vector<8x256x128xi32>
      %eq3A_888 = arith.cmpi eq, %add3A_851, %eq3A_887 : vector<8x256x128xi32>
      %or3A_889 = arith.ori %or3A_886, %eq3A_888 : vector<8x256x128xi1>
      %broadcast_in_dim3A_890 = vector.broadcast %cond3A_584 : f32 to vector<8x256x128xf32>
      %select_n3A_891 = arith.select %or3A_889, %broadcast_in_dim3A_890, %select_n3A_872 : vector<8x256x128xi1>, vector<8x256x128xf32>
      %reduce_max3A_892 = vector.shape_cast %select_n3A_891 : vector<8x256x128xf32> to vector<1x8x256x128xf32>
      %reduce_max3A_893 = arith.constant dense<0xFF800000> : vector<1xf32>
      %reduce_max3A_894 = vector.multi_reduction <maximumf>, %reduce_max3A_892, %reduce_max3A_893 [1, 2, 3] : vector<1x8x256x128xf32> to vector<1xf32>
      %reduce_max3A_895 = vector.shape_cast %reduce_max3A_894 : vector<1xf32> to vector<1x1x1x1xf32>
      %reduce_max3A_896 = vector.extract %reduce_max3A_895[0, 0, 0, 0] : f32 from vector<1x1x1x1xf32>
      %eq3A_897 = vector.broadcast %reduce_max3A_896 : f32 to vector<8x256x128xf32>
      %eq3A_898 = arith.cmpf oeq, %select_n3A_891, %eq3A_897 : vector<8x256x128xf32>
      %broadcast_in_dim3A_899 = vector.broadcast %cond3A_585 : i32 to vector<8x256x128xi32>
      %select_n3A_900 = arith.select %eq3A_898, %add3A_851, %broadcast_in_dim3A_899 : vector<8x256x128xi1>, vector<8x256x128xi32>
      %reduce_min3A_901 = vector.shape_cast %select_n3A_900 : vector<8x256x128xi32> to vector<1x8x256x128xi32>
      %reduce_min3A_902 = arith.constant dense<2147483647> : vector<1xi32>
      %reduce_min3A_903 = vector.multi_reduction <minsi>, %reduce_min3A_901, %reduce_min3A_902 [1, 2, 3] : vector<1x8x256x128xi32> to vector<1xi32>
      %reduce_min3A_904 = vector.shape_cast %reduce_min3A_903 : vector<1xi32> to vector<1x1x1x1xi32>
      %reduce_min3A_905 = vector.extract %reduce_min3A_904[0, 0, 0, 0] : i32 from vector<1x1x1x1xi32>
      %swap3A_906 = arith.constant 0 : index
      %swap3A_907 = memref.load %arg11[%swap3A_906] : memref<1xf32, #tpu.memory_space<smem>>
      memref.store %reduce_max3A_896, %arg11[%swap3A_906] : memref<1xf32, #tpu.memory_space<smem>>
      %swap3A_908 = arith.constant 0 : index
      %swap3A_909 = memref.load %arg12[%swap3A_908] : memref<1xi32, #tpu.memory_space<smem>>
      memref.store %reduce_min3A_905, %arg12[%swap3A_908] : memref<1xi32, #tpu.memory_space<smem>>
    } else {
    }
    %get3A_588 = arith.constant 0 : index
    %get3A_589 = memref.load %arg11[%get3A_588] : memref<1xf32, #tpu.memory_space<smem>>
    %get3A_590 = arith.constant 0 : index
    %get3A_591 = memref.load %arg12[%get3A_590] : memref<1xi32, #tpu.memory_space<smem>>
    %eq3A_592 = vector.broadcast %get3A_591 : i32 to vector<8x128xi32>
    %eq3A_593 = arith.cmpi eq, %select_n3A_524, %eq3A_592 : vector<8x128xi32>
    %eq3A_594 = arith.constant 1 : i32
    %eq3A_595 = vector.broadcast %eq3A_594 : i32 to vector<8x128xi32>
    %eq3A_596 = arith.cmpi eq, %add3A_522, %eq3A_595 : vector<8x128xi32>
    %and3A_597 = arith.andi %eq3A_593, %eq3A_596 : vector<8x128xi1>
    %reduce_or3A_598 = arith.constant 1.000000e+00 : f32
    %reduce_or3A_599 = arith.constant 0.000000e+00 : f32
    %reduce_or3A_600 = vector.broadcast %reduce_or3A_598 : f32 to vector<8x128xf32>
    %reduce_or3A_601 = vector.broadcast %reduce_or3A_599 : f32 to vector<8x128xf32>
    %reduce_or3A_602 = arith.select %and3A_597, %reduce_or3A_600, %reduce_or3A_601 : vector<8x128xi1>, vector<8x128xf32>
    %reduce_or3A_603 = vector.shape_cast %reduce_or3A_602 : vector<8x128xf32> to vector<1x8x128xf32>
    %reduce_or3A_604 = arith.constant dense<0xFF800000> : vector<1xf32>
    %reduce_or3A_605 = vector.multi_reduction <maximumf>, %reduce_or3A_603, %reduce_or3A_604 [1, 2] : vector<1x8x128xf32> to vector<1xf32>
    %reduce_or3A_606 = vector.shape_cast %reduce_or3A_605 : vector<1xf32> to vector<1x1x1xf32>
    %reduce_or3A_607 = vector.extract %reduce_or3A_606[0, 0, 0] : f32 from vector<1x1x1xf32>
    %reduce_or3A_608 = arith.constant 0.000000e+00 : f32
    %reduce_or3A_609 = arith.cmpf ogt, %reduce_or3A_607, %reduce_or3A_608 : f32
    %and3A_610 = arith.andi %and3A_576, %reduce_or3A_609 : i1
    %max3A_611 = arith.maximumf %select_n3A_520, %get3A_589 : f32
    %select_n3A_612 = arith.select %and3A_610, %max3A_611, %select_n3A_520 : f32
    %convert_element_type3A_613 = arith.extui %eq3A_593 : vector<8x128xi1> to vector<8x128xi32>
    %add3A_614 = arith.addi %add3A_522, %convert_element_type3A_613 : vector<8x128xi32>
    %select_n3A_615 = arith.select %eq3A_593, %select_n3A_527, %select_n3A_523 : vector<8x128xi1>, vector<8x128xf32>
    %select_n3A_616 = arith.select %eq3A_593, %select_n3A_530, %select_n3A_524 : vector<8x128xi1>, vector<8x128xi32>
    %jit3A_617 = arith.constant 0xFF800000 : f32
    %broadcast_in_dim3A_618 = vector.broadcast %jit3A_617 : f32 to vector<8x128xf32>
    %select_n3A_619 = arith.select %eq3A_593, %broadcast_in_dim3A_618, %select_n3A_527 : vector<8x128xi1>, vector<8x128xf32>
    %jit3A_620 = arith.constant 1073741824 : i32
    %broadcast_in_dim3A_621 = vector.broadcast %jit3A_620 : i32 to vector<8x128xi32>
    %select_n3A_622 = arith.select %eq3A_593, %broadcast_in_dim3A_621, %select_n3A_530 : vector<8x128xi1>, vector<8x128xi32>
    %not3A_623 = arith.constant true
    %not3A_624 = arith.xori %and3A_576, %not3A_623 : i1
    %or3A_625 = arith.ori %or3A_533, %not3A_624 : i1
    %and3A_626 = arith.constant 32767 : i32
    %and3A_627 = arith.andi %get3A_591, %and3A_626 : i32
    %shift_right_logical3A_628 = arith.constant 15 : i32
    %shift_right_logical3A_629 = arith.shrui %get3A_591, %shift_right_logical3A_628 : i32
    %eq3A_630 = arith.constant 5 : i32
    %eq3A_631 = vector.broadcast %eq3A_630 : i32 to vector<1x8xi32>
    %eq3A_632 = arith.cmpi eq, %iota3A_99, %eq3A_631 : vector<1x8xi32>
    %broadcast_in_dim3A_633 = vector.broadcast %get3A_589 : f32 to vector<1x8xf32>
    %select_n3A_634 = arith.select %eq3A_632, %broadcast_in_dim3A_633, %select_n3A_542 : vector<1x8xi1>, vector<1x8xf32>
    %eq3A_635 = arith.constant 5 : i32
    %eq3A_636 = vector.broadcast %eq3A_635 : i32 to vector<1x8xi32>
    %eq3A_637 = arith.cmpi eq, %iota3A_99, %eq3A_636 : vector<1x8xi32>
    %broadcast_in_dim3A_638 = vector.broadcast %and3A_627 : i32 to vector<1x8xi32>
    %select_n3A_639 = arith.select %eq3A_637, %broadcast_in_dim3A_638, %select_n3A_547 : vector<1x8xi1>, vector<1x8xi32>
    %eq3A_640 = arith.constant 5 : i32
    %eq3A_641 = vector.broadcast %eq3A_640 : i32 to vector<1x8xi32>
    %eq3A_642 = arith.cmpi eq, %iota3A_99, %eq3A_641 : vector<1x8xi32>
    %mul3A_643 = arith.constant 8 : i32
    %mul3A_644 = arith.muli %arg0, %mul3A_643 : i32
    %add3A_645 = arith.addi %mul3A_644, %shift_right_logical3A_629 : i32
    %broadcast_in_dim3A_646 = vector.broadcast %add3A_645 : i32 to vector<1x8xi32>
    %select_n3A_647 = arith.select %eq3A_642, %broadcast_in_dim3A_646, %select_n3A_555 : vector<1x8xi1>, vector<1x8xi32>
    %eq3A_648 = arith.constant 5 : i32
    %eq3A_649 = vector.broadcast %eq3A_648 : i32 to vector<8x8xi32>
    %eq3A_650 = arith.cmpi eq, %iota3A_100, %eq3A_649 : vector<8x8xi32>
    %eq3A_651 = vector.broadcast %shift_right_logical3A_629 : i32 to vector<8x8xi32>
    %eq3A_652 = arith.cmpi eq, %iota3A_101, %eq3A_651 : vector<8x8xi32>
    %and3A_653 = arith.andi %eq3A_650, %eq3A_652 : vector<8x8xi1>
    %jit3A_654 = arith.constant 1.000000e+00 : f32
    %jit3A_655 = arith.constant 0.000000e+00 : f32
    %broadcast_in_dim3A_656 = vector.broadcast %jit3A_654 : f32 to vector<8x8xf32>
    %broadcast_in_dim3A_657 = vector.broadcast %jit3A_655 : f32 to vector<8x8xf32>
    %select_n3A_658 = arith.select %and3A_653, %broadcast_in_dim3A_656, %broadcast_in_dim3A_657 : vector<8x8xi1>, vector<8x8xf32>
    %add3A_659 = arith.addf %add3A_567, %select_n3A_658 : vector<8x8xf32>
    %reduce_max3A_660 = vector.shape_cast %select_n3A_615 : vector<8x128xf32> to vector<1x8x128xf32>
    %reduce_max3A_661 = arith.constant dense<0xFF800000> : vector<1xf32>
    %reduce_max3A_662 = vector.multi_reduction <maximumf>, %reduce_max3A_660, %reduce_max3A_661 [1, 2] : vector<1x8x128xf32> to vector<1xf32>
    %reduce_max3A_663 = vector.shape_cast %reduce_max3A_662 : vector<1xf32> to vector<1x1x1xf32>
    %reduce_max3A_664 = vector.extract %reduce_max3A_663[0, 0, 0] : f32 from vector<1x1x1xf32>
    %not3A_665 = arith.constant true
    %not3A_666 = arith.xori %or3A_625, %not3A_665 : i1
    %gt3A_667 = arith.cmpf ogt, %reduce_max3A_664, %select_n3A_612 : f32
    %and3A_668 = arith.andi %not3A_666, %gt3A_667 : i1
    %convert_element_type3A_669 = arith.extui %and3A_668 : i1 to i32
    %cond3A_670 = arith.constant 1073741824 : i32
    %cond3A_671 = arith.constant 0 : i32
    %cond3A_672 = arith.cmpi ne, %convert_element_type3A_669, %cond3A_671 : i32
    scf.if %cond3A_672 {
      %eq3A_841 = vector.broadcast %reduce_max3A_664 : f32 to vector<8x128xf32>
      %eq3A_842 = arith.cmpf oeq, %select_n3A_615, %eq3A_841 : vector<8x128xf32>
      %broadcast_in_dim3A_843 = vector.broadcast %cond3A_670 : i32 to vector<8x128xi32>
      %select_n3A_844 = arith.select %eq3A_842, %select_n3A_616, %broadcast_in_dim3A_843 : vector<8x128xi1>, vector<8x128xi32>
      %reduce_min3A_845 = vector.shape_cast %select_n3A_844 : vector<8x128xi32> to vector<1x8x128xi32>
      %reduce_min3A_846 = arith.constant dense<2147483647> : vector<1xi32>
      %reduce_min3A_847 = vector.multi_reduction <minsi>, %reduce_min3A_845, %reduce_min3A_846 [1, 2] : vector<1x8x128xi32> to vector<1xi32>
      %reduce_min3A_848 = vector.shape_cast %reduce_min3A_847 : vector<1xi32> to vector<1x1x1xi32>
      %reduce_min3A_849 = vector.extract %reduce_min3A_848[0, 0, 0] : i32 from vector<1x1x1xi32>
      %swap3A_850 = arith.constant 0 : index
      %swap3A_851 = memref.load %arg11[%swap3A_850] : memref<1xf32, #tpu.memory_space<smem>>
      memref.store %reduce_max3A_664, %arg11[%swap3A_850] : memref<1xf32, #tpu.memory_space<smem>>
      %swap3A_852 = arith.constant 0 : index
      %swap3A_853 = memref.load %arg12[%swap3A_852] : memref<1xi32, #tpu.memory_space<smem>>
      memref.store %reduce_min3A_849, %arg12[%swap3A_852] : memref<1xi32, #tpu.memory_space<smem>>
    } else {
    }
    %not3A_673 = arith.constant true
    %not3A_674 = arith.xori %and3A_668, %not3A_673 : i1
    %convert_element_type3A_675 = arith.extui %not3A_674 : i1 to i32
    %cond3A_676 = arith.constant 0xFF800000 : f32
    %cond3A_677 = arith.constant 1073741824 : i32
    %cond3A_678 = arith.constant 0 : i32
    %cond3A_679 = arith.cmpi ne, %convert_element_type3A_675, %cond3A_678 : i32
    scf.if %cond3A_679 {
      %iota3A_841 = tpu.iota {dimensions = array<i32: 0>} : vector<8x256x128xi32>
      %mul3A_842 = arith.constant 32768 : i32
      %mul3A_843 = vector.broadcast %mul3A_842 : i32 to vector<8x256x128xi32>
      %mul3A_844 = arith.muli %iota3A_841, %mul3A_843 : vector<8x256x128xi32>
      %iota3A_845 = tpu.iota {dimensions = array<i32: 1>} : vector<8x256x128xi32>
      %mul3A_846 = arith.constant 128 : i32
      %mul3A_847 = vector.broadcast %mul3A_846 : i32 to vector<8x256x128xi32>
      %mul3A_848 = arith.muli %iota3A_845, %mul3A_847 : vector<8x256x128xi32>
      %add3A_849 = arith.addi %mul3A_844, %mul3A_848 : vector<8x256x128xi32>
      %iota3A_850 = tpu.iota {dimensions = array<i32: 2>} : vector<8x256x128xi32>
      %add3A_851 = arith.addi %add3A_849, %iota3A_850 : vector<8x256x128xi32>
      %broadcast_in_dim3A_852 = vector.shape_cast %sub3A : vector<8x1xf32> to vector<8x1x1xf32>
      %add3A_853 = vector.broadcast %broadcast_in_dim3A_852 : vector<8x1x1xf32> to vector<8x256x128xf32>
      %add3A_854 = arith.addf %reshape3A, %add3A_853 : vector<8x256x128xf32>
      %broadcast_in_dim3A_855 = vector.shape_cast %gt3A_63 : vector<8x1xi1> to vector<8x1x1xi1>
      %iota3A_856 = tpu.iota {dimensions = array<i32: 0>} : vector<8x1x1xi32>
      %mul3A_857 = arith.constant 32768 : i32
      %mul3A_858 = vector.broadcast %mul3A_857 : i32 to vector<8x1x1xi32>
      %mul3A_859 = arith.muli %iota3A_856, %mul3A_858 : vector<8x1x1xi32>
      %add3A_860 = arith.constant 2 : i32
      %add3A_861 = vector.broadcast %add3A_860 : i32 to vector<8x1x1xi32>
      %add3A_862 = arith.addi %mul3A_859, %add3A_861 : vector<8x1x1xi32>
      %eq3A_863 = vector.broadcast %add3A_862 : vector<8x1x1xi32> to vector<8x256x128xi32>
      %eq3A_864 = arith.cmpi eq, %add3A_851, %eq3A_863 : vector<8x256x128xi32>
      %broadcast_in_dim3A_865 = vector.shape_cast %get3A_8 : vector<8x1xf32> to vector<8x1x1xf32>
      %broadcast_in_dim3A_866 = vector.shape_cast %broadcast_in_dim3A_865 : vector<8x1x1xf32> to vector<8x1x1xf32>
      %broadcast_in_dim3A_867 = vector.broadcast %broadcast_in_dim3A_866 : vector<8x1x1xf32> to vector<8x256x128xf32>
      %broadcast_in_dim3A_868 = vector.broadcast %cond3A_676 : f32 to vector<8x256x128xf32>
      %select_n3A_869 = arith.select %eq3A_864, %broadcast_in_dim3A_867, %broadcast_in_dim3A_868 : vector<8x256x128xi1>, vector<8x256x128xf32>
      %broadcast_in_dim3A_870 = vector.shape_cast %broadcast_in_dim3A_855 : vector<8x1x1xi1> to vector<8x1x1xi1>
      %broadcast_in_dim3A_871 = vector.broadcast %broadcast_in_dim3A_870 : vector<8x1x1xi1> to vector<8x256x128xi1>
      %select_n3A_872 = arith.select %broadcast_in_dim3A_871, %select_n3A_869, %add3A_854 : vector<8x256x128xi1>, vector<8x256x128xf32>
      %broadcast_in_dim3A_873 = arith.constant false
      %broadcast_in_dim3A_874 = vector.broadcast %broadcast_in_dim3A_873 : i1 to vector<8x256x128xi1>
      %eq3A_875 = vector.broadcast %get3A_132 : i32 to vector<8x256x128xi32>
      %eq3A_876 = arith.cmpi eq, %add3A_851, %eq3A_875 : vector<8x256x128xi32>
      %or3A_877 = arith.ori %broadcast_in_dim3A_874, %eq3A_876 : vector<8x256x128xi1>
      %eq3A_878 = vector.broadcast %get3A_223 : i32 to vector<8x256x128xi32>
      %eq3A_879 = arith.cmpi eq, %add3A_851, %eq3A_878 : vector<8x256x128xi32>
      %or3A_880 = arith.ori %or3A_877, %eq3A_879 : vector<8x256x128xi1>
      %eq3A_881 = vector.broadcast %get3A_315 : i32 to vector<8x256x128xi32>
      %eq3A_882 = arith.cmpi eq, %add3A_851, %eq3A_881 : vector<8x256x128xi32>
      %or3A_883 = arith.ori %or3A_880, %eq3A_882 : vector<8x256x128xi1>
      %eq3A_884 = vector.broadcast %get3A_407 : i32 to vector<8x256x128xi32>
      %eq3A_885 = arith.cmpi eq, %add3A_851, %eq3A_884 : vector<8x256x128xi32>
      %or3A_886 = arith.ori %or3A_883, %eq3A_885 : vector<8x256x128xi1>
      %eq3A_887 = vector.broadcast %get3A_499 : i32 to vector<8x256x128xi32>
      %eq3A_888 = arith.cmpi eq, %add3A_851, %eq3A_887 : vector<8x256x128xi32>
      %or3A_889 = arith.ori %or3A_886, %eq3A_888 : vector<8x256x128xi1>
      %eq3A_890 = vector.broadcast %get3A_591 : i32 to vector<8x256x128xi32>
      %eq3A_891 = arith.cmpi eq, %add3A_851, %eq3A_890 : vector<8x256x128xi32>
      %or3A_892 = arith.ori %or3A_889, %eq3A_891 : vector<8x256x128xi1>
      %broadcast_in_dim3A_893 = vector.broadcast %cond3A_676 : f32 to vector<8x256x128xf32>
      %select_n3A_894 = arith.select %or3A_892, %broadcast_in_dim3A_893, %select_n3A_872 : vector<8x256x128xi1>, vector<8x256x128xf32>
      %reduce_max3A_895 = vector.shape_cast %select_n3A_894 : vector<8x256x128xf32> to vector<1x8x256x128xf32>
      %reduce_max3A_896 = arith.constant dense<0xFF800000> : vector<1xf32>
      %reduce_max3A_897 = vector.multi_reduction <maximumf>, %reduce_max3A_895, %reduce_max3A_896 [1, 2, 3] : vector<1x8x256x128xf32> to vector<1xf32>
      %reduce_max3A_898 = vector.shape_cast %reduce_max3A_897 : vector<1xf32> to vector<1x1x1x1xf32>
      %reduce_max3A_899 = vector.extract %reduce_max3A_898[0, 0, 0, 0] : f32 from vector<1x1x1x1xf32>
      %eq3A_900 = vector.broadcast %reduce_max3A_899 : f32 to vector<8x256x128xf32>
      %eq3A_901 = arith.cmpf oeq, %select_n3A_894, %eq3A_900 : vector<8x256x128xf32>
      %broadcast_in_dim3A_902 = vector.broadcast %cond3A_677 : i32 to vector<8x256x128xi32>
      %select_n3A_903 = arith.select %eq3A_901, %add3A_851, %broadcast_in_dim3A_902 : vector<8x256x128xi1>, vector<8x256x128xi32>
      %reduce_min3A_904 = vector.shape_cast %select_n3A_903 : vector<8x256x128xi32> to vector<1x8x256x128xi32>
      %reduce_min3A_905 = arith.constant dense<2147483647> : vector<1xi32>
      %reduce_min3A_906 = vector.multi_reduction <minsi>, %reduce_min3A_904, %reduce_min3A_905 [1, 2, 3] : vector<1x8x256x128xi32> to vector<1xi32>
      %reduce_min3A_907 = vector.shape_cast %reduce_min3A_906 : vector<1xi32> to vector<1x1x1x1xi32>
      %reduce_min3A_908 = vector.extract %reduce_min3A_907[0, 0, 0, 0] : i32 from vector<1x1x1x1xi32>
      %swap3A_909 = arith.constant 0 : index
      %swap3A_910 = memref.load %arg11[%swap3A_909] : memref<1xf32, #tpu.memory_space<smem>>
      memref.store %reduce_max3A_899, %arg11[%swap3A_909] : memref<1xf32, #tpu.memory_space<smem>>
      %swap3A_911 = arith.constant 0 : index
      %swap3A_912 = memref.load %arg12[%swap3A_911] : memref<1xi32, #tpu.memory_space<smem>>
      memref.store %reduce_min3A_908, %arg12[%swap3A_911] : memref<1xi32, #tpu.memory_space<smem>>
    } else {
    }
    %get3A_680 = arith.constant 0 : index
    %get3A_681 = memref.load %arg11[%get3A_680] : memref<1xf32, #tpu.memory_space<smem>>
    %get3A_682 = arith.constant 0 : index
    %get3A_683 = memref.load %arg12[%get3A_682] : memref<1xi32, #tpu.memory_space<smem>>
    %eq3A_684 = vector.broadcast %get3A_683 : i32 to vector<8x128xi32>
    %eq3A_685 = arith.cmpi eq, %select_n3A_616, %eq3A_684 : vector<8x128xi32>
    %eq3A_686 = arith.constant 1 : i32
    %eq3A_687 = vector.broadcast %eq3A_686 : i32 to vector<8x128xi32>
    %eq3A_688 = arith.cmpi eq, %add3A_614, %eq3A_687 : vector<8x128xi32>
    %and3A_689 = arith.andi %eq3A_685, %eq3A_688 : vector<8x128xi1>
    %reduce_or3A_690 = arith.constant 1.000000e+00 : f32
    %reduce_or3A_691 = arith.constant 0.000000e+00 : f32
    %reduce_or3A_692 = vector.broadcast %reduce_or3A_690 : f32 to vector<8x128xf32>
    %reduce_or3A_693 = vector.broadcast %reduce_or3A_691 : f32 to vector<8x128xf32>
    %reduce_or3A_694 = arith.select %and3A_689, %reduce_or3A_692, %reduce_or3A_693 : vector<8x128xi1>, vector<8x128xf32>
    %reduce_or3A_695 = vector.shape_cast %reduce_or3A_694 : vector<8x128xf32> to vector<1x8x128xf32>
    %reduce_or3A_696 = arith.constant dense<0xFF800000> : vector<1xf32>
    %reduce_or3A_697 = vector.multi_reduction <maximumf>, %reduce_or3A_695, %reduce_or3A_696 [1, 2] : vector<1x8x128xf32> to vector<1xf32>
    %reduce_or3A_698 = vector.shape_cast %reduce_or3A_697 : vector<1xf32> to vector<1x1x1xf32>
    %reduce_or3A_699 = vector.extract %reduce_or3A_698[0, 0, 0] : f32 from vector<1x1x1xf32>
    %reduce_or3A_700 = arith.constant 0.000000e+00 : f32
    %reduce_or3A_701 = arith.cmpf ogt, %reduce_or3A_699, %reduce_or3A_700 : f32
    %and3A_702 = arith.andi %and3A_668, %reduce_or3A_701 : i1
    %max3A_703 = arith.maximumf %select_n3A_612, %get3A_681 : f32
    %select_n3A_704 = arith.select %and3A_702, %max3A_703, %select_n3A_612 : f32
    %select_n3A_705 = arith.select %eq3A_685, %select_n3A_619, %select_n3A_615 : vector<8x128xi1>, vector<8x128xf32>
    %select_n3A_706 = arith.select %eq3A_685, %select_n3A_622, %select_n3A_616 : vector<8x128xi1>, vector<8x128xi32>
    %not3A_707 = arith.constant true
    %not3A_708 = arith.xori %and3A_668, %not3A_707 : i1
    %or3A_709 = arith.ori %or3A_625, %not3A_708 : i1
    %and3A_710 = arith.constant 32767 : i32
    %and3A_711 = arith.andi %get3A_683, %and3A_710 : i32
    %shift_right_logical3A_712 = arith.constant 15 : i32
    %shift_right_logical3A_713 = arith.shrui %get3A_683, %shift_right_logical3A_712 : i32
    %eq3A_714 = arith.constant 6 : i32
    %eq3A_715 = vector.broadcast %eq3A_714 : i32 to vector<1x8xi32>
    %eq3A_716 = arith.cmpi eq, %iota3A_99, %eq3A_715 : vector<1x8xi32>
    %broadcast_in_dim3A_717 = vector.broadcast %get3A_681 : f32 to vector<1x8xf32>
    %select_n3A_718 = arith.select %eq3A_716, %broadcast_in_dim3A_717, %select_n3A_634 : vector<1x8xi1>, vector<1x8xf32>
    %eq3A_719 = arith.constant 6 : i32
    %eq3A_720 = vector.broadcast %eq3A_719 : i32 to vector<1x8xi32>
    %eq3A_721 = arith.cmpi eq, %iota3A_99, %eq3A_720 : vector<1x8xi32>
    %broadcast_in_dim3A_722 = vector.broadcast %and3A_711 : i32 to vector<1x8xi32>
    %select_n3A_723 = arith.select %eq3A_721, %broadcast_in_dim3A_722, %select_n3A_639 : vector<1x8xi1>, vector<1x8xi32>
    %eq3A_724 = arith.constant 6 : i32
    %eq3A_725 = vector.broadcast %eq3A_724 : i32 to vector<1x8xi32>
    %eq3A_726 = arith.cmpi eq, %iota3A_99, %eq3A_725 : vector<1x8xi32>
    %mul3A_727 = arith.constant 8 : i32
    %mul3A_728 = arith.muli %arg0, %mul3A_727 : i32
    %add3A_729 = arith.addi %mul3A_728, %shift_right_logical3A_713 : i32
    %broadcast_in_dim3A_730 = vector.broadcast %add3A_729 : i32 to vector<1x8xi32>
    %select_n3A_731 = arith.select %eq3A_726, %broadcast_in_dim3A_730, %select_n3A_647 : vector<1x8xi1>, vector<1x8xi32>
    %eq3A_732 = arith.constant 6 : i32
    %eq3A_733 = vector.broadcast %eq3A_732 : i32 to vector<8x8xi32>
    %eq3A_734 = arith.cmpi eq, %iota3A_100, %eq3A_733 : vector<8x8xi32>
    %eq3A_735 = vector.broadcast %shift_right_logical3A_713 : i32 to vector<8x8xi32>
    %eq3A_736 = arith.cmpi eq, %iota3A_101, %eq3A_735 : vector<8x8xi32>
    %and3A_737 = arith.andi %eq3A_734, %eq3A_736 : vector<8x8xi1>
    %jit3A_738 = arith.constant 1.000000e+00 : f32
    %jit3A_739 = arith.constant 0.000000e+00 : f32
    %broadcast_in_dim3A_740 = vector.broadcast %jit3A_738 : f32 to vector<8x8xf32>
    %broadcast_in_dim3A_741 = vector.broadcast %jit3A_739 : f32 to vector<8x8xf32>
    %select_n3A_742 = arith.select %and3A_737, %broadcast_in_dim3A_740, %broadcast_in_dim3A_741 : vector<8x8xi1>, vector<8x8xf32>
    %add3A_743 = arith.addf %add3A_659, %select_n3A_742 : vector<8x8xf32>
    %reduce_max3A_744 = vector.shape_cast %select_n3A_705 : vector<8x128xf32> to vector<1x8x128xf32>
    %reduce_max3A_745 = arith.constant dense<0xFF800000> : vector<1xf32>
    %reduce_max3A_746 = vector.multi_reduction <maximumf>, %reduce_max3A_744, %reduce_max3A_745 [1, 2] : vector<1x8x128xf32> to vector<1xf32>
    %reduce_max3A_747 = vector.shape_cast %reduce_max3A_746 : vector<1xf32> to vector<1x1x1xf32>
    %reduce_max3A_748 = vector.extract %reduce_max3A_747[0, 0, 0] : f32 from vector<1x1x1xf32>
    %not3A_749 = arith.constant true
    %not3A_750 = arith.xori %or3A_709, %not3A_749 : i1
    %gt3A_751 = arith.cmpf ogt, %reduce_max3A_748, %select_n3A_704 : f32
    %and3A_752 = arith.andi %not3A_750, %gt3A_751 : i1
    %convert_element_type3A_753 = arith.extui %and3A_752 : i1 to i32
    %cond3A_754 = arith.constant 1073741824 : i32
    %cond3A_755 = arith.constant 0 : i32
    %cond3A_756 = arith.cmpi ne, %convert_element_type3A_753, %cond3A_755 : i32
    scf.if %cond3A_756 {
      %eq3A_841 = vector.broadcast %reduce_max3A_748 : f32 to vector<8x128xf32>
      %eq3A_842 = arith.cmpf oeq, %select_n3A_705, %eq3A_841 : vector<8x128xf32>
      %broadcast_in_dim3A_843 = vector.broadcast %cond3A_754 : i32 to vector<8x128xi32>
      %select_n3A_844 = arith.select %eq3A_842, %select_n3A_706, %broadcast_in_dim3A_843 : vector<8x128xi1>, vector<8x128xi32>
      %reduce_min3A_845 = vector.shape_cast %select_n3A_844 : vector<8x128xi32> to vector<1x8x128xi32>
      %reduce_min3A_846 = arith.constant dense<2147483647> : vector<1xi32>
      %reduce_min3A_847 = vector.multi_reduction <minsi>, %reduce_min3A_845, %reduce_min3A_846 [1, 2] : vector<1x8x128xi32> to vector<1xi32>
      %reduce_min3A_848 = vector.shape_cast %reduce_min3A_847 : vector<1xi32> to vector<1x1x1xi32>
      %reduce_min3A_849 = vector.extract %reduce_min3A_848[0, 0, 0] : i32 from vector<1x1x1xi32>
      %swap3A_850 = arith.constant 0 : index
      %swap3A_851 = memref.load %arg11[%swap3A_850] : memref<1xf32, #tpu.memory_space<smem>>
      memref.store %reduce_max3A_748, %arg11[%swap3A_850] : memref<1xf32, #tpu.memory_space<smem>>
      %swap3A_852 = arith.constant 0 : index
      %swap3A_853 = memref.load %arg12[%swap3A_852] : memref<1xi32, #tpu.memory_space<smem>>
      memref.store %reduce_min3A_849, %arg12[%swap3A_852] : memref<1xi32, #tpu.memory_space<smem>>
    } else {
    }
    %not3A_757 = arith.constant true
    %not3A_758 = arith.xori %and3A_752, %not3A_757 : i1
    %convert_element_type3A_759 = arith.extui %not3A_758 : i1 to i32
    %cond3A_760 = arith.constant 0xFF800000 : f32
    %cond3A_761 = arith.constant 1073741824 : i32
    %cond3A_762 = arith.constant 0 : i32
    %cond3A_763 = arith.cmpi ne, %convert_element_type3A_759, %cond3A_762 : i32
    scf.if %cond3A_763 {
      %iota3A_841 = tpu.iota {dimensions = array<i32: 0>} : vector<8x256x128xi32>
      %mul3A_842 = arith.constant 32768 : i32
      %mul3A_843 = vector.broadcast %mul3A_842 : i32 to vector<8x256x128xi32>
      %mul3A_844 = arith.muli %iota3A_841, %mul3A_843 : vector<8x256x128xi32>
      %iota3A_845 = tpu.iota {dimensions = array<i32: 1>} : vector<8x256x128xi32>
      %mul3A_846 = arith.constant 128 : i32
      %mul3A_847 = vector.broadcast %mul3A_846 : i32 to vector<8x256x128xi32>
      %mul3A_848 = arith.muli %iota3A_845, %mul3A_847 : vector<8x256x128xi32>
      %add3A_849 = arith.addi %mul3A_844, %mul3A_848 : vector<8x256x128xi32>
      %iota3A_850 = tpu.iota {dimensions = array<i32: 2>} : vector<8x256x128xi32>
      %add3A_851 = arith.addi %add3A_849, %iota3A_850 : vector<8x256x128xi32>
      %broadcast_in_dim3A_852 = vector.shape_cast %sub3A : vector<8x1xf32> to vector<8x1x1xf32>
      %add3A_853 = vector.broadcast %broadcast_in_dim3A_852 : vector<8x1x1xf32> to vector<8x256x128xf32>
      %add3A_854 = arith.addf %reshape3A, %add3A_853 : vector<8x256x128xf32>
      %broadcast_in_dim3A_855 = vector.shape_cast %gt3A_63 : vector<8x1xi1> to vector<8x1x1xi1>
      %iota3A_856 = tpu.iota {dimensions = array<i32: 0>} : vector<8x1x1xi32>
      %mul3A_857 = arith.constant 32768 : i32
      %mul3A_858 = vector.broadcast %mul3A_857 : i32 to vector<8x1x1xi32>
      %mul3A_859 = arith.muli %iota3A_856, %mul3A_858 : vector<8x1x1xi32>
      %add3A_860 = arith.constant 2 : i32
      %add3A_861 = vector.broadcast %add3A_860 : i32 to vector<8x1x1xi32>
      %add3A_862 = arith.addi %mul3A_859, %add3A_861 : vector<8x1x1xi32>
      %eq3A_863 = vector.broadcast %add3A_862 : vector<8x1x1xi32> to vector<8x256x128xi32>
      %eq3A_864 = arith.cmpi eq, %add3A_851, %eq3A_863 : vector<8x256x128xi32>
      %broadcast_in_dim3A_865 = vector.shape_cast %get3A_8 : vector<8x1xf32> to vector<8x1x1xf32>
      %broadcast_in_dim3A_866 = vector.shape_cast %broadcast_in_dim3A_865 : vector<8x1x1xf32> to vector<8x1x1xf32>
      %broadcast_in_dim3A_867 = vector.broadcast %broadcast_in_dim3A_866 : vector<8x1x1xf32> to vector<8x256x128xf32>
      %broadcast_in_dim3A_868 = vector.broadcast %cond3A_760 : f32 to vector<8x256x128xf32>
      %select_n3A_869 = arith.select %eq3A_864, %broadcast_in_dim3A_867, %broadcast_in_dim3A_868 : vector<8x256x128xi1>, vector<8x256x128xf32>
      %broadcast_in_dim3A_870 = vector.shape_cast %broadcast_in_dim3A_855 : vector<8x1x1xi1> to vector<8x1x1xi1>
      %broadcast_in_dim3A_871 = vector.broadcast %broadcast_in_dim3A_870 : vector<8x1x1xi1> to vector<8x256x128xi1>
      %select_n3A_872 = arith.select %broadcast_in_dim3A_871, %select_n3A_869, %add3A_854 : vector<8x256x128xi1>, vector<8x256x128xf32>
      %broadcast_in_dim3A_873 = arith.constant false
      %broadcast_in_dim3A_874 = vector.broadcast %broadcast_in_dim3A_873 : i1 to vector<8x256x128xi1>
      %eq3A_875 = vector.broadcast %get3A_132 : i32 to vector<8x256x128xi32>
      %eq3A_876 = arith.cmpi eq, %add3A_851, %eq3A_875 : vector<8x256x128xi32>
      %or3A_877 = arith.ori %broadcast_in_dim3A_874, %eq3A_876 : vector<8x256x128xi1>
      %eq3A_878 = vector.broadcast %get3A_223 : i32 to vector<8x256x128xi32>
      %eq3A_879 = arith.cmpi eq, %add3A_851, %eq3A_878 : vector<8x256x128xi32>
      %or3A_880 = arith.ori %or3A_877, %eq3A_879 : vector<8x256x128xi1>
      %eq3A_881 = vector.broadcast %get3A_315 : i32 to vector<8x256x128xi32>
      %eq3A_882 = arith.cmpi eq, %add3A_851, %eq3A_881 : vector<8x256x128xi32>
      %or3A_883 = arith.ori %or3A_880, %eq3A_882 : vector<8x256x128xi1>
      %eq3A_884 = vector.broadcast %get3A_407 : i32 to vector<8x256x128xi32>
      %eq3A_885 = arith.cmpi eq, %add3A_851, %eq3A_884 : vector<8x256x128xi32>
      %or3A_886 = arith.ori %or3A_883, %eq3A_885 : vector<8x256x128xi1>
      %eq3A_887 = vector.broadcast %get3A_499 : i32 to vector<8x256x128xi32>
      %eq3A_888 = arith.cmpi eq, %add3A_851, %eq3A_887 : vector<8x256x128xi32>
      %or3A_889 = arith.ori %or3A_886, %eq3A_888 : vector<8x256x128xi1>
      %eq3A_890 = vector.broadcast %get3A_591 : i32 to vector<8x256x128xi32>
      %eq3A_891 = arith.cmpi eq, %add3A_851, %eq3A_890 : vector<8x256x128xi32>
      %or3A_892 = arith.ori %or3A_889, %eq3A_891 : vector<8x256x128xi1>
      %eq3A_893 = vector.broadcast %get3A_683 : i32 to vector<8x256x128xi32>
      %eq3A_894 = arith.cmpi eq, %add3A_851, %eq3A_893 : vector<8x256x128xi32>
      %or3A_895 = arith.ori %or3A_892, %eq3A_894 : vector<8x256x128xi1>
      %broadcast_in_dim3A_896 = vector.broadcast %cond3A_760 : f32 to vector<8x256x128xf32>
      %select_n3A_897 = arith.select %or3A_895, %broadcast_in_dim3A_896, %select_n3A_872 : vector<8x256x128xi1>, vector<8x256x128xf32>
      %reduce_max3A_898 = vector.shape_cast %select_n3A_897 : vector<8x256x128xf32> to vector<1x8x256x128xf32>
      %reduce_max3A_899 = arith.constant dense<0xFF800000> : vector<1xf32>
      %reduce_max3A_900 = vector.multi_reduction <maximumf>, %reduce_max3A_898, %reduce_max3A_899 [1, 2, 3] : vector<1x8x256x128xf32> to vector<1xf32>
      %reduce_max3A_901 = vector.shape_cast %reduce_max3A_900 : vector<1xf32> to vector<1x1x1x1xf32>
      %reduce_max3A_902 = vector.extract %reduce_max3A_901[0, 0, 0, 0] : f32 from vector<1x1x1x1xf32>
      %eq3A_903 = vector.broadcast %reduce_max3A_902 : f32 to vector<8x256x128xf32>
      %eq3A_904 = arith.cmpf oeq, %select_n3A_897, %eq3A_903 : vector<8x256x128xf32>
      %broadcast_in_dim3A_905 = vector.broadcast %cond3A_761 : i32 to vector<8x256x128xi32>
      %select_n3A_906 = arith.select %eq3A_904, %add3A_851, %broadcast_in_dim3A_905 : vector<8x256x128xi1>, vector<8x256x128xi32>
      %reduce_min3A_907 = vector.shape_cast %select_n3A_906 : vector<8x256x128xi32> to vector<1x8x256x128xi32>
      %reduce_min3A_908 = arith.constant dense<2147483647> : vector<1xi32>
      %reduce_min3A_909 = vector.multi_reduction <minsi>, %reduce_min3A_907, %reduce_min3A_908 [1, 2, 3] : vector<1x8x256x128xi32> to vector<1xi32>
      %reduce_min3A_910 = vector.shape_cast %reduce_min3A_909 : vector<1xi32> to vector<1x1x1x1xi32>
      %reduce_min3A_911 = vector.extract %reduce_min3A_910[0, 0, 0, 0] : i32 from vector<1x1x1x1xi32>
      %swap3A_912 = arith.constant 0 : index
      %swap3A_913 = memref.load %arg11[%swap3A_912] : memref<1xf32, #tpu.memory_space<smem>>
      memref.store %reduce_max3A_902, %arg11[%swap3A_912] : memref<1xf32, #tpu.memory_space<smem>>
      %swap3A_914 = arith.constant 0 : index
      %swap3A_915 = memref.load %arg12[%swap3A_914] : memref<1xi32, #tpu.memory_space<smem>>
      memref.store %reduce_min3A_911, %arg12[%swap3A_914] : memref<1xi32, #tpu.memory_space<smem>>
    } else {
    }
    %get3A_764 = arith.constant 0 : index
    %get3A_765 = memref.load %arg11[%get3A_764] : memref<1xf32, #tpu.memory_space<smem>>
    %get3A_766 = arith.constant 0 : index
    %get3A_767 = memref.load %arg12[%get3A_766] : memref<1xi32, #tpu.memory_space<smem>>
    %and3A_768 = arith.constant 32767 : i32
    %and3A_769 = arith.andi %get3A_767, %and3A_768 : i32
    %shift_right_logical3A_770 = arith.constant 15 : i32
    %shift_right_logical3A_771 = arith.shrui %get3A_767, %shift_right_logical3A_770 : i32
    %eq3A_772 = arith.constant 7 : i32
    %eq3A_773 = vector.broadcast %eq3A_772 : i32 to vector<1x8xi32>
    %eq3A_774 = arith.cmpi eq, %iota3A_99, %eq3A_773 : vector<1x8xi32>
    %broadcast_in_dim3A_775 = vector.broadcast %get3A_765 : f32 to vector<1x8xf32>
    %select_n3A_776 = arith.select %eq3A_774, %broadcast_in_dim3A_775, %select_n3A_718 : vector<1x8xi1>, vector<1x8xf32>
    %eq3A_777 = arith.constant 7 : i32
    %eq3A_778 = vector.broadcast %eq3A_777 : i32 to vector<1x8xi32>
    %eq3A_779 = arith.cmpi eq, %iota3A_99, %eq3A_778 : vector<1x8xi32>
    %broadcast_in_dim3A_780 = vector.broadcast %and3A_769 : i32 to vector<1x8xi32>
    %select_n3A_781 = arith.select %eq3A_779, %broadcast_in_dim3A_780, %select_n3A_723 : vector<1x8xi1>, vector<1x8xi32>
    %eq3A_782 = arith.constant 7 : i32
    %eq3A_783 = vector.broadcast %eq3A_782 : i32 to vector<1x8xi32>
    %eq3A_784 = arith.cmpi eq, %iota3A_99, %eq3A_783 : vector<1x8xi32>
    %mul3A_785 = arith.constant 8 : i32
    %mul3A_786 = arith.muli %arg0, %mul3A_785 : i32
    %add3A_787 = arith.addi %mul3A_786, %shift_right_logical3A_771 : i32
    %broadcast_in_dim3A_788 = vector.broadcast %add3A_787 : i32 to vector<1x8xi32>
    %select_n3A_789 = arith.select %eq3A_784, %broadcast_in_dim3A_788, %select_n3A_731 : vector<1x8xi1>, vector<1x8xi32>
    %eq3A_790 = arith.constant 7 : i32
    %eq3A_791 = vector.broadcast %eq3A_790 : i32 to vector<8x8xi32>
    %eq3A_792 = arith.cmpi eq, %iota3A_100, %eq3A_791 : vector<8x8xi32>
    %eq3A_793 = vector.broadcast %shift_right_logical3A_771 : i32 to vector<8x8xi32>
    %eq3A_794 = arith.cmpi eq, %iota3A_101, %eq3A_793 : vector<8x8xi32>
    %and3A_795 = arith.andi %eq3A_792, %eq3A_794 : vector<8x8xi1>
    %jit3A_796 = arith.constant 1.000000e+00 : f32
    %jit3A_797 = arith.constant 0.000000e+00 : f32
    %broadcast_in_dim3A_798 = vector.broadcast %jit3A_796 : f32 to vector<8x8xf32>
    %broadcast_in_dim3A_799 = vector.broadcast %jit3A_797 : f32 to vector<8x8xf32>
    %select_n3A_800 = arith.select %and3A_795, %broadcast_in_dim3A_798, %broadcast_in_dim3A_799 : vector<8x8xi1>, vector<8x8xf32>
    %add3A_801 = arith.addf %add3A_743, %select_n3A_800 : vector<8x8xf32>
    %swap3A = arith.constant 0 : index
    %swap3A_802 = arith.constant 0 : index
    %swap3A_803 = arith.constant 0 : index
    %swap3A_804 = vector.load %arg6[%swap3A, %swap3A_802, %swap3A_803] : memref<1x1x8xf32, #tpu.memory_space<vmem>>, vector<1x1x8xf32>
    %swap3A_805 = vector.shape_cast %swap3A_804 : vector<1x1x8xf32> to vector<1x8xf32>
    %swap3A_806 = vector.shape_cast %select_n3A_776 : vector<1x8xf32> to vector<1x1x8xf32>
    tpu.vector_store %arg6[%swap3A, %swap3A_802, %swap3A_803], %swap3A_806 {strides = array<i32>} : memref<1x1x8xf32, #tpu.memory_space<vmem>>, vector<1x1x8xf32>,
    %swap3A_807 = arith.constant 0 : index
    %swap3A_808 = arith.constant 0 : index
    %swap3A_809 = arith.constant 0 : index
    %swap3A_810 = vector.load %arg7[%swap3A_807, %swap3A_808, %swap3A_809] : memref<1x1x8xi32, #tpu.memory_space<vmem>>, vector<1x1x8xi32>
    %swap3A_811 = vector.shape_cast %swap3A_810 : vector<1x1x8xi32> to vector<1x8xi32>
    %swap3A_812 = vector.shape_cast %select_n3A_781 : vector<1x8xi32> to vector<1x1x8xi32>
    tpu.vector_store %arg7[%swap3A_807, %swap3A_808, %swap3A_809], %swap3A_812 {strides = array<i32>} : memref<1x1x8xi32, #tpu.memory_space<vmem>>, vector<1x1x8xi32>,
    %gt3A_813 = arith.constant 0 : i32
    %gt3A_814 = vector.broadcast %gt3A_813 : i32 to vector<1x8xi32>
    %gt3A_815 = arith.cmpi sgt, %get3A_18, %gt3A_814 : vector<1x8xi32>
    %eq3A_816 = arith.constant 2 : i32
    %eq3A_817 = vector.broadcast %eq3A_816 : i32 to vector<1x8xi32>
    %eq3A_818 = arith.cmpi eq, %select_n3A_781, %eq3A_817 : vector<1x8xi32>
    %or3A_819 = arith.ori %gt3A_815, %eq3A_818 : vector<1x8xi1>
    %convert_element_type3A_820 = arith.extui %or3A_819 : vector<1x8xi1> to vector<1x8xi32>
    %swap3A_821 = arith.constant 0 : index
    %swap3A_822 = arith.constant 0 : index
    %swap3A_823 = arith.constant 0 : index
    %swap3A_824 = vector.load %arg8[%swap3A_821, %swap3A_822, %swap3A_823] : memref<1x1x8xi32, #tpu.memory_space<vmem>>, vector<1x1x8xi32>
    %swap3A_825 = vector.shape_cast %swap3A_824 : vector<1x1x8xi32> to vector<1x8xi32>
    %swap3A_826 = vector.shape_cast %convert_element_type3A_820 : vector<1x8xi32> to vector<1x1x8xi32>
    tpu.vector_store %arg8[%swap3A_821, %swap3A_822, %swap3A_823], %swap3A_826 {strides = array<i32>} : memref<1x1x8xi32, #tpu.memory_space<vmem>>, vector<1x1x8xi32>,
    %dot_general3A = arith.constant dense<0.000000e+00> : vector<16x8xf32>
    %dot_general3A_827 = tpu.matmul %convert_element_type3A, %add3A_801, %dot_general3A {dimension_numbers = #tpu.dot_dimension_numbers<[1], [1], [0], [0], [0, 0, 1, 0], [], []>, transpose_lhs_hint = false} : vector<16x8xf32>, vector<8x8xf32>, vector<16x8xf32> -> vector<16x8xf32>
    %convert_element_type3A_828 = arith.fptosi %dot_general3A_827 : vector<16x8xf32> to vector<16x8xi32>
    %swap3A_829 = arith.constant 0 : index
    %swap3A_830 = arith.constant 0 : index
    %swap3A_831 = arith.constant 0 : index
    %swap3A_832 = vector.load %arg9[%swap3A_829, %swap3A_830, %swap3A_831] : memref<1x16x8xi32, #tpu.memory_space<vmem>>, vector<1x16x8xi32>
    %swap3A_833 = vector.shape_cast %swap3A_832 : vector<1x16x8xi32> to vector<16x8xi32>
    %swap3A_834 = vector.shape_cast %convert_element_type3A_828 : vector<16x8xi32> to vector<1x16x8xi32>
    tpu.vector_store %arg9[%swap3A_829, %swap3A_830, %swap3A_831], %swap3A_834 {strides = array<i32>} : memref<1x16x8xi32, #tpu.memory_space<vmem>>, vector<1x16x8xi32>,
    %swap3A_835 = arith.constant 0 : index
    %swap3A_836 = arith.constant 0 : index
    %swap3A_837 = arith.constant 0 : index
    %swap3A_838 = vector.load %arg10[%swap3A_835, %swap3A_836, %swap3A_837] : memref<1x1x8xi32, #tpu.memory_space<vmem>>, vector<1x1x8xi32>
    %swap3A_839 = vector.shape_cast %swap3A_838 : vector<1x1x8xi32> to vector<1x8xi32>
    %swap3A_840 = vector.shape_cast %select_n3A_789 : vector<1x8xi32> to vector<1x1x8xi32>
    tpu.vector_store %arg10[%swap3A_835, %swap3A_836, %swap3A_837], %swap3A_840 {strides = array<i32>} : memref<1x1x8xi32, #tpu.memory_space<vmem>>, vector<1x1x8xi32>,
    return
  }
  func.func @transform_0(%arg0: i32) -> (i32, i32, i32) {
    %c0_i32 = arith.constant 0 : i32
    %c0_i32_0 = arith.constant 0 : i32
    %c0_i32_1 = arith.constant 0 : i32
    return %arg0, %c0_i32, %c0_i32_0 : i32, i32, i32
  }
  func.func @transform_1(%arg0: i32) -> (i32, i32, i32) {
    %c0_i32 = arith.constant 0 : i32
    %c0_i32_0 = arith.constant 0 : i32
    %c0_i32_1 = arith.constant 0 : i32
    return %arg0, %c0_i32, %c0_i32_0 : i32, i32, i32
  }
  func.func @transform_2(%arg0: i32) -> (i32, i32, i32) {
    %c0_i32 = arith.constant 0 : i32
    %c0_i32_0 = arith.constant 0 : i32
    %c0_i32_1 = arith.constant 0 : i32
    return %arg0, %c0_i32, %c0_i32_0 : i32, i32, i32
  }
  func.func @transform_3(%arg0: i32) -> (i32, i32, i32) {
    %c0_i32 = arith.constant 0 : i32
    %c0_i32_0 = arith.constant 0 : i32
    %c0_i32_1 = arith.constant 0 : i32
    return %arg0, %c0_i32, %c0_i32_0 : i32, i32, i32
  }
  func.func @transform_4(%arg0: i32) -> (i32, i32, i32) {
    %c0_i32 = arith.constant 0 : i32
    %c0_i32_0 = arith.constant 0 : i32
    %c0_i32_1 = arith.constant 0 : i32
    return %arg0, %c0_i32, %c0_i32_0 : i32, i32, i32
  }
  func.func @transform_5(%arg0: i32) -> (i32, i32, i32) {
    %c0_i32 = arith.constant 0 : i32
    %c0_i32_0 = arith.constant 0 : i32
    %c0_i32_1 = arith.constant 0 : i32
    return %arg0, %c0_i32, %c0_i32_0 : i32, i32, i32
  }
  func.func @transform_6(%arg0: i32) -> (i32, i32, i32) {
    %c0_i32 = arith.constant 0 : i32
    %c0_i32_0 = arith.constant 0 : i32
    %c0_i32_1 = arith.constant 0 : i32
    return %arg0, %c0_i32, %c0_i32_0 : i32, i32, i32
  }
  func.func @transform_7(%arg0: i32) -> (i32, i32, i32) {
    %c0_i32 = arith.constant 0 : i32
    %c0_i32_0 = arith.constant 0 : i32
    %c0_i32_1 = arith.constant 0 : i32
    return %arg0, %c0_i32, %c0_i32_0 : i32, i32, i32
  }
  func.func @transform_8(%arg0: i32) -> (i32, i32, i32) {
    %c0_i32 = arith.constant 0 : i32
    %c0_i32_0 = arith.constant 0 : i32
    %c0_i32_1 = arith.constant 0 : i32
    return %arg0, %c0_i32, %c0_i32_0 : i32, i32, i32
  }
  func.func @transform_9(%arg0: i32) -> (i32, i32, i32) {
    %c0_i32 = arith.constant 0 : i32
    %c0_i32_0 = arith.constant 0 : i32
    %c0_i32_1 = arith.constant 0 : i32
    return %arg0, %c0_i32, %c0_i32_0 : i32, i32, i32
  }
}

</mosaic_0001>

<sc_bundles>
// kernel: kernel.4.cloned.1.call-start
scs
__scs_entry_jumppad:
0x0: {  	(pc) =	sbr.rel $0x88, $3  }
0x1: {  	(tag) =	ssettag $0x0;
	lr =	simm.s32 $0x1  }
0x2: {  	[smem:$0x3F9C] =	sst lr;
	_ =	strace $0xD0000000  }
0x3: {  	_ = 	snop  }
0x4: {  	_ = 	snop  }
0x5: {  	_ = 	snop  }
0x6: {  	_ = 	snop  }
0x7: {  	_ = 	snop  }
__scs_overlays_trampoline_lowered:
0x8: {  	[smem:$0x3FAB] =	sst s0  }
0x9: {  	[smem:$0x3FAC] =	sst s1  }
0xa: {  	[smem:$0x3FAD] =	sst s2  }
0xb: {  	[smem:$0x3FAE] =	sst s3  }
0xc: {  	[smem:$0x3FAF] =	sst s4  }
0xd: {  	[smem:$0x3FB0] =	sst s5  }
0xe: {  	[smem:$0x3FB1] =	sst s6  }
0xf: {  	[smem:$0x3FB2] =	sst s7  }
0x10: {  	[smem:$0x3FB3] =	sst s8  }
0x11: {  	[smem:$0x3FB4] =	sst s9;
	s0 =	simm.s32 @!p0 $0x0  }
0x12: {  	s1 =	sld [smem:$0x3F9A];
	s0 =	simm.s32 @p0 $0x1  }
0x13: {  	[smem:$0x3FB5] =	sst s0;
	s0 =	simm.s32 @!p1 $0x0  }
0x14: {  	s2 =	sld [smem:$0x3F99];
	s0 =	simm.s32 @p1 $0x1  }
0x15: {  	[smem:$0x3FB6] =	sst s0;
	s0 =	simm.s32 @!p2 $0x0  }
0x16: {  	s3 =	sld [smem:$0x3FDB];
	s0 =	simm.s32 @p2 $0x1  }
0x17: {  	s4 =	simm.s32 $0x1BF5;
	[smem:$0x3FB8] =	sst s0  }
0x18: {  	s0 =	sld [smem:$0x3F9B];
	_ =	swait.ge [sflag:s4], $0x0  }
0x19: {  	s7 =	sld [smem:$0x3F9C]  }
0x1a: {  	s8 =	sadd.s32 $0xFFFFE003, lr  }
0x1b: {  	s9 =	sadd.s32 $0xFFFFFEF7, lr;
	s5 =	simm.s32 $0xFFFFFFFF;
	p2 =	slt.u32 s8, $0xFFFFF086  }
0x1c: {  	p1 =	slt.u32 s9, $0xF7A;
	s5 =	simm.s32 @!p2 $0x0  }
0x1d: {  	s5 =	simm.s32 @p1 $0x1;
	p0 =	seq.s32 s7, s2  }
0x1e: {  	s7 =	smul.u32 @!p0 $0xF7A, s2;
	p2 =	seq.s32 @!p0 s5, $0x0  }
0x1f: {  	s9 =	smul.u32 $0xF7A, s1;
	s8 =	simm.s32 @!p0 $0x1BF5;
	p2 =	por !p2, p0  }
0x20: {  	[sflag:s8] =	ssyncset.s32 @!p0 $0xFFFFF086;
	s6 =	sadd.s32 @!p0 s3, s7;
	s7 =	simm.s32 @!p0 $0x108  }
0x21: {  	s3 =	sadd.s32 s3, s9;
	s6 =	sadd.s32 @!p0 $0x88, s6;
	s7 =	simm.s32 @p2 $0x1082  }
0x22: {  	[simem:s7], [sflag:s8] =	dma.local @!p0 [hbm:s6], $0xF7A  }
0x23: {  	s9 =	sor.u32 $0xD0000000, s2;
	s6 =	simm.s32 $0x108;
	_ =	swait.ge @!p0 [sflag:s8], $0x0  }
0x24: {  	s3 =	sadd.s32 $0x88, s3;
	s6 =	simm.s32 @!p1 $0x1082;
	[sflag:s4] =	ssyncset.s32 $0xFFFFF086  }
0x25: {  	[simem:s6], [sflag:s4] =	dma.local [hbm:s3], $0xF7A  }
0x26: {  	[smem:$0x3F9C] =	sst s1;
	(tag) =	ssettag s2;
	_ =	strace s9  }
0x27: {  	s1 =	sld [smem:$0x3FAC]  }
0x28: {  	s2 =	sld [smem:$0x3FAD]  }
0x29: {  	s4 =	sld [smem:$0x3FAF]  }
0x2a: {  	p0 =	seq.s32 s5, $0x0;
	s5 =	sld [smem:$0x3FB0]  }
0x2b: {  	s6 =	sld [smem:$0x3FB1]  }
0x2c: {  	s7 =	sld [smem:$0x3FB2]  }
0x2d: {  	s3 =	simm.s32 $0x108;
	s8 =	sld [smem:$0x3FB3]  }
0x2e: {  	s3 =	simm.s32 @!p0 $0x1082;
	s9 =	sld [smem:$0x3FB4]  }
0x2f: {  	lr =	sadd.s32 s0, s3;
	s0 =	sld [smem:$0x3FAB]  }
0x30: {  	s3 =	sld [smem:$0x3FAE]  }
0x31: {  	[smem:$0x3FB7] =	sst s10  }
0x32: {  	s10 =	sld [smem:$0x3FB5];
	_ =	sdelay $0x3  }
0x33: {  	p0 =	seq.s32 s10, $0x1;
	s10 =	sld [smem:$0x3FB7];
	_ =	sdelay $0x3  }
0x34: {  	[smem:$0x3FB7] =	sst s10  }
0x35: {  	s10 =	sld [smem:$0x3FB6];
	_ =	sdelay $0x3  }
0x36: {  	p1 =	seq.s32 s10, $0x1;
	s10 =	sld [smem:$0x3FB7];
	_ =	sdelay $0x3  }
0x37: {  	[smem:$0x3FB7] =	sst s10  }
0x38: {  	s10 =	sld [smem:$0x3FB8]  }
0x39: {  	_ = 	snop;
	(pc) =	sbr.ind lr, $3  }
0x3a: {  	_ = 	snop  }
0x3b: {  	_ = 	snop  }
0x3c: {  	p2 =	seq.s32 s10, $0x1;
	s10 =	sld [smem:$0x3FB7]  }
0x3d: {  	_ =	shalt  }
0x3e: {  	_ =	shalt  }
0x3f: {  	_ =	shalt  }
0x40: {  	_ =	shalt  }
0x41: {  	_ =	shalt  }
0x42: {  	_ =	shalt  }
0x43: {  	_ =	shalt  }
0x44: {  	_ =	shalt  }
0x45: {  	_ =	shalt  }
0x46: {  	_ =	shalt  }
0x47: {  	_ =	shalt  }
0x48: {  	_ =	shalt  }
0x49: {  	_ =	shalt  }
0x4a: {  	_ =	shalt  }
0x4b: {  	_ =	shalt  }
0x4c: {  	_ =	shalt  }
0x4d: {  	_ =	shalt  }
0x4e: {  	_ =	shalt  }
0x4f: {  	_ =	shalt  }
0x50: {  	_ =	shalt  }
0x51: {  	_ =	shalt  }
0x52: {  	_ =	shalt  }
0x53: {  	_ =	shalt  }
0x54: {  	_ =	shalt  }
0x55: {  	_ =	shalt  }
0x56: {  	_ =	shalt  }
0x57: {  	_ =	shalt  }
0x58: {  	_ =	shalt  }
0x59: {  	_ =	shalt  }
0x5a: {  	_ =	shalt  }
0x5b: {  	_ =	shalt  }
0x5c: {  	_ =	shalt  }
0x5d: {  	_ =	shalt  }
0x5e: {  	_ =	shalt  }
0x5f: {  	_ =	shalt  }
0x60: {  	_ =	shalt  }
0x61: {  	_ =	shalt  }
0x62: {  	_ =	shalt  }
0x63: {  	_ =	shalt  }
0x64: {  	_ =	shalt  }
0x65: {  	_ =	shalt  }
0x66: {  	_ =	shalt  }
0x67: {  	_ =	shalt  }
0x68: {  	_ =	shalt  }
0x69: {  	_ =	shalt  }
0x6a: {  	_ =	shalt  }
0x6b: {  	_ =	shalt  }
0x6c: {  	_ =	shalt  }
0x6d: {  	_ =	shalt  }
0x6e: {  	_ =	shalt  }
0x6f: {  	_ =	shalt  }
0x70: {  	_ =	shalt  }
0x71: {  	_ =	shalt  }
0x72: {  	_ =	shalt  }
0x73: {  	_ =	shalt  }
0x74: {  	_ =	shalt  }
0x75: {  	_ =	shalt  }
0x76: {  	_ =	shalt  }
0x77: {  	_ =	shalt  }
0x78: {  	_ =	shalt  }
0x79: {  	_ =	shalt  }
0x7a: {  	_ =	shalt  }
0x7b: {  	_ =	shalt  }
0x7c: {  	_ =	shalt  }
0x7d: {  	_ =	shalt  }
0x7e: {  	_ =	shalt  }
0x7f: {  	_ =	shalt  }
0x80: {  	_ =	shalt  }
0x81: {  	_ =	shalt  }
0x82: {  	_ =	shalt  }
0x83: {  	_ =	shalt  }
0x84: {  	_ =	shalt  }
0x85: {  	_ =	shalt  }
0x86: {  	_ =	shalt  }
0x87: {  	_ =	shalt  }
.Lfunc_end0:
.L_simem_size_0:
called_computation_lowered:
.L_overlay_start_0:
0x88: {  	s2 =	sld [smem:$0x3FD9]  }
0x89: {  	s3 =	sld [smem:$0x3FFE];
	_ =	sdelay $0x1  }
0x8a: {  	s1 =	srdreg.scid  }
0x8b: {  	s0 =	sand.u32 $0x1, s1  }
0x8c: {  	s14 =	sshll.u32 s0, $0xA;
	s2 =	sadd.s32 s3, s2  }
0x8d: {  	s2 =	sadd.s32 s2, s14  }
0x8e: {  	[smem:$0x3FC3] =	sst s2  }
0x8f: {  	_ = 	snop  }
0x90: {  	s2 =	sld [smem:$0x3FD0];
	_ =	sdelay $0x2  }
0x91: {  	s4 =	simm.s32 $0xA;
	s5 =	simm.s32 $0x10;
	s15 =	sld [smem:$0x3FC6]  }
0x92: {  	[smem:s5], [sflag:s4] =	dma.local [hbm:s2], $0x1  }
0x93: {  	_ =	swait.eq [sflag:s4], $0x1  }
0x94: {  	[sflag:s4] =	ssyncset.done $0x0  }
0x95: {  	[sflag:s4] =	ssyncadd.s32 $0xFFFFFFFF  }
0x96: {  	s16 =	sld [smem:$0x13];
	(tm) =	ssettm $0x1  }
0x97: {  	s17 =	sld [smem:$0x3FFB];
	_ =	sdelay $0x3  }
0x98: {  	_ =	strace s17  }
0x99: {  	s4 =	sld [smem:$0x3FFC];
	_ =	sdelay $0x3  }
0x9a: {  	_ =	strace s4  }
0x9b: {  	s4 =	sld [smem:$0x3FFD];
	_ =	sdelay $0x3  }
0x9c: {  	_ =	strace s4  }
0x9d: {  	_ =	strace $0x8FFFFFFF  }
0x9e: {  	s18 =	sld [smem:$0x3FDB];
	_ =	sdelay $0x1  }
0x9f: {  	s19 =	simm.s32 $_scs_section_size  }
0xa0: {  	s6 =	simm.s32 $_size__tile_overlayer_lowered;
	s7 =	simm.s32 $_tile_overlayer_lowered  }
0xa1: {  	s22 =	simm.s32 $0x1BFF;
	s21 =	sshll.u32 s7, $0x1;
	s4 =	sadd.s32 s19, s18  }
0xa2: {  	s8 =	simm.s32 $0x0;
	s20 =	sshll.u32 s6, $0x1;
	s6 =	sadd.s32 s21, s4  }
0xa3: {  	[timem:s8], [sflag:s22] =	dma.local [hbm:s6], s20  }
0xa4: {  	_ =	swait.ge [sflag:s22], s20  }
0xa5: {  	s5 =	ssub.s32 $0x0, s20;
	[sflag:s22] =	ssyncset.done $0x0  }
0xa6: {  	[sflag:s22] =	ssyncadd.s32 s5;
	_ =	sdelay $0x1  }
0xa7: {  	s23 =	simm.s32 $0x1B8B  }
0xa8: {  	_ =	swait.ge [sflag:s23], $0x1  }
0xa9: {  	[sflag:s23] =	ssyncset.done $0x0  }
0xaa: {  	s25 =	simm.s32 $0x1B8E;
	s24 =	sld [smem:$0x3FFE];
	[sflag:s23] =	ssyncadd.s32 $0xFFFFFFFF  }
0xab: {  	s26 =	simm.s32 $execute0_lowered;
	[smem:$0x3FD2] =	sst s25  }
0xac: {  	s6 =	sshll.u32 s26, $0x1;
	_ =	strace $0x80000046;
	[dreg:$0x1] =	wrdreg $0xFFFFFFFF  }
0xad: {  	s28 =	simm.s32 $_size_execute0_lowered;
	s4 =	sadd.s32 s4, s6;
	[dreg:$0x0] =	wrdreg $0x0  }
0xae: {  	s6 =	sshll.u32 s28, $0x1;
	[dreg:$0x2] =	wrdreg s4  }
0xaf: {  	[dreg:$0x3] =	wrdreg s6  }
0xb0: {  	[dreg:$0x4] =	wrdreg $0xC0  }
0xb1: {  	_ =	task [dreg:s8], $0x5FFFF  }
0xb2: {  	[dreg:$0x1] =	wrdreg $0xFFFFFFFF  }
0xb3: {  	[dreg:$0x0] =	wrdreg $0x60  }
0xb4: {  	[dreg:$0x2] =	wrdreg s15  }
0xb5: {  	[dreg:$0x3] =	wrdreg s24  }
0xb6: {  	[dreg:$0x4] =	wrdreg s16  }
0xb7: {  	[dreg:$0x5] =	wrdreg $0x9  }
0xb8: {  	_ =	task.clear_ibuf [dreg:s8], $0x6FFFF;
	_ =	strace $0x90000046  }
0xb9: {  	s29 =	simm.s32 $0x9;
	_ =	strace $0x80000048  }
0xba: {  	_ =	swait.ge [sflag:s29], $0x1  }
0xbb: {  	[sflag:s29] =	ssyncadd.s32 $0xFFFFFFFF  }
0xbc: {  	_ =	strace $0x90000048  }
0xbd: {  	_ =	sfence  }
0xbe: {  	s30 =	sld [smem:$0x0];
	_ =	sdelay $0x2  }
0xbf: {  	s31 =	sshll.u32 s1, $0xD;
	s1 =	sshrl.u32 s1, $0x2  }
0xc0: {  	s3 =	sand.u32 $0x4000, s31;
	s1 =	sadd.s32 s1, s30  }
0xc1: {  	s0 =	sor.u32 s3, s0;
	s1 =	sshll.u32 s1, $0x11  }
0xc2: {  	s0 =	sor.u32 s1, s0  }
0xc3: {  	s0 =	sadd.s32 $0x8F2B, s0  }
0xc4: {  	[sflag:s0] =	ssyncadd.remote.s32 $0x1  }
0xc5: {  	_ =	sfence.sel $0xFFFF  }
0xc6: {  	[dreg:$0x0] =	wrdreg $0xFFFFFFFF;
	(pc) =	sbr.abs _section_cstart, $3  }
0xc7: {  	[dreg:$0x1] =	wrdreg $0xFFFFFFFF  }
0xc8: {  	_ =	task.clear_ibuf [dreg:s8], $0x2FFFF;
	_ =	strace $0x9FFFFFFF  }
0xc9: {  	(tm) =	ssettm $0x7FFFFFFF  }
tec
execute0_lowered:
.L_overlay_start_1:
0x0: {  	(tag) =	ssettag $0x1  }
0x1: {  	s1 =	rddreg [dreg:$0x0];
	s2 =	srdreg.scid  }
0x2: {  	s4 =	rddreg [dreg:$0x1];
	s0 =	stileid.u32;
	s16 =	sand.u32 $0x1, s2  }
0x3: {  	s18 =	rddreg [dreg:$0x2];
	s5 =	sshll.u32 s0, $0x5;
	s6 =	sshll.u32 s16, $0x4  }
0x4: {  	s3 =	simm.s32 $0x0;
	s2 =	rddreg [dreg:$0x3];
	s19 =	sor.u32 s6, s5  }
0x5: {  	[smem:$0x7FF] =	sst s3;
	s5 =	sshrl.u32 s19, $0x3  }
0x6: {  	_ =	strace $0x80000047;
	s5 =	sadd.s32 s4, s5;
	s4 =	simm.s32 $0x2  }
0x7: {  	[tilespmem:s3], [sflag:$0x2] =	stream.linear.gather [hbm4b:s5+s3], $0x10, $0x38;
	[tilespmem:$0x4080] =	vst v63  }
0x8: {  	_ =	swait.ge [sflag:s4], $0x10  }
0x9: {  	[sflag:s4] =	ssyncset.done $0x0  }
0xa: {  	[sflag:s4] =	ssyncadd.s32 $0xFFFFFFF0  }
0xb: {  	v0 =	vld [tilespmem:$0x0];
	_ =	sdelay $0x4  }
0xc: {  	v1 =	vshll.u32 v0, $0x3  }
0xd: {  	v2 =	vlaneseq.u32;
	v3 =	vand.u32 $0x7, v0;
	v1 =	vand.u32 $0xFFFFFFC0, v1  }
0xe: {  	v4 =	vshrl.u32 v2, $0x3;
	v0 =	vand.u32 $0x7, v2;
	v3 =	vor.u32 v3, v1  }
0xf: {  	v1 =	vmul.u32 $0x8, v4;
	v63 =	vperm.xlane v3, v0;
	_ =	sdelay $0x1  }
0x10: {  	v4 =	vadd.s32 v1, v63;
	_ =	sdelay $0x3  }
0x11: {  	vm0 =	vmmov $0xffff;
	s6 =	simm.s32 $0x80  }
0x12: {  	v2 =	vor.u32 $0x8, v2;
	[tilespmem:s6], [sflag:$0x1] =	stream.indirect_vreg.gather [hbm4b:s1+s3], $0x80, v4, vm0, $0xb8;
	[tilespmem:$0x4080] =	vst v63  }
0x13: {  	s8 =	simm.s32 $0x880;
	s7 =	sadd.s32 $0x100, s1;
	v3 =	vperm.xlane v3, v2  }
0x14: {  	[tilespmem:s8], [sflag:$0x1] =	stream.indirect_vreg.gather [hbm4b:s7+s3], $0x80, v4, vm0, $0xb8;
	[tilespmem:$0x4080] =	vst v63  }
0x15: {  	s10 =	simm.s32 $0x1080;
	s9 =	sadd.s32 $0x200, s1;
	v3 =	vadd.s32 v1, v3  }
0x16: {  	[tilespmem:s10], [sflag:$0x1] =	stream.indirect_vreg.gather [hbm4b:s9+s3], $0x80, v4, vm0, $0xb8;
	[tilespmem:$0x4080] =	vst v63  }
0x17: {  	s12 =	simm.s32 $0x1880;
	s11 =	sadd.s32 $0x300, s1  }
0x18: {  	[tilespmem:s12], [sflag:$0x1] =	stream.indirect_vreg.gather [hbm4b:s11+s3], $0x80, v4, vm0, $0xb8;
	[tilespmem:$0x4080] =	vst v63  }
0x19: {  	s13 =	simm.s32 $0x2080;
	s20 =	ssub.s32 $0x2, s16  }
0x1a: {  	[tilespmem:s13], [sflag:$0x1] =	stream.indirect_vreg.gather [hbm4b:s1+s3], $0x80, v3, vm0, $0xb8;
	[tilespmem:$0x4080] =	vst v63  }
0x1b: {  	s14 =	simm.s32 $0x2880;
	s21 =	sshrl.u32 s20, $0x1  }
0x1c: {  	[tilespmem:s14], [sflag:$0x1] =	stream.indirect_vreg.gather [hbm4b:s7+s3], $0x80, v3, vm0, $0xb8;
	[tilespmem:$0x4080] =	vst v63  }
0x1d: {  	s15 =	simm.s32 $0x3080;
	s20 =	ssub.s32 s20, s21  }
0x1e: {  	[tilespmem:s15], [sflag:$0x1] =	stream.indirect_vreg.gather [hbm4b:s9+s3], $0x80, v3, vm0, $0xb8;
	[tilespmem:$0x4080] =	vst v63  }
0x1f: {  	s17 =	simm.s32 $0x1;
	s16 =	simm.s32 $0x3880;
	s31 =	smax.u32 s20, $0x1  }
0x20: {  	[tilespmem:s16], [sflag:$0x1] =	stream.indirect_vreg.gather [hbm4b:s11+s3], $0x80, v3, vm0, $0xb8;
	[tilespmem:$0x4080] =	vst v63  }
0x21: {  	p0 =	sne.s32 s31, $0x1;
	_ =	swait.ge [sflag:s17], $0x4000  }
.Ltmp0:
0x22: {  	s19 =	sshll.u32 s19, $0x7;
	[sflag:s17] =	ssyncset.done $0x0;
	(pc) =	sbr.rel @!p0 .LBB2_2-.Ltmp0, $4  }
0x23: {  	s18 =	sadd.s32 s18, s19;
	[sflag:s17] =	ssyncadd.s32 $0xFFFFC000  }
0x24: {  	[hbm4b:s18+s3] =	stream.linear.scatter [tilespmem:s6], [sflag:$0x2], $0x4000, $0x38;
	[tilespmem:$0x4080] =	vst v63  }
0x25: {  	_ =	swait.ge [sflag:s4], $0x4000  }
0x26: {  	s19 =	sadd.s32 $0xFFFFFFFF, s31;
	[sflag:s4] =	ssyncset.done $0x0  }
.LBB2_1:
0x27: {  	p0 =	sne.s32 s19, $0x1;
	s19 =	sadd.s32 $0xFFFFFFFF, s19;
	[sflag:s4] =	ssyncadd.s32 $0xFFFFC000  }
0x28: {  	[tilespmem:s3], [sflag:$0x2] =	stream.linear.gather [hbm4b:s5+s3], $0x10, $0x38;
	[tilespmem:$0x4080] =	vst v63  }
0x29: {  	_ =	swait.ge [sflag:s4], $0x10  }
0x2a: {  	[sflag:s4] =	ssyncset.done $0x0  }
0x2b: {  	[sflag:s4] =	ssyncadd.s32 $0xFFFFFFF0  }
0x2c: {  	v3 =	vld [tilespmem:$0x0];
	_ =	sdelay $0x4  }
0x2d: {  	v4 =	vshll.u32 v3, $0x3  }
0x2e: {  	v3 =	vand.u32 $0x7, v3;
	v4 =	vand.u32 $0xFFFFFFC0, v4  }
0x2f: {  	v3 =	vor.u32 v3, v4  }
0x30: {  	v4 =	vperm.xlane v3, v0;
	v3 =	vperm.xlane v3, v2;
	_ =	sdelay $0x1  }
0x31: {  	v4 =	vadd.s32 v1, v4;
	_ =	sdelay $0x4  }
0x32: {  	[tilespmem:s6], [sflag:$0x1] =	stream.indirect_vreg.gather [hbm4b:s1+s3], $0x80, v4, vm0, $0xb8;
	[tilespmem:$0x4080] =	vst v63  }
0x33: {  	_ = 	snop  }
0x34: {  	[tilespmem:s8], [sflag:$0x1] =	stream.indirect_vreg.gather [hbm4b:s7+s3], $0x80, v4, vm0, $0xb8;
	[tilespmem:$0x4080] =	vst v63  }
0x35: {  	v3 =	vadd.s32 v1, v3  }
0x36: {  	[tilespmem:s10], [sflag:$0x1] =	stream.indirect_vreg.gather [hbm4b:s9+s3], $0x80, v4, vm0, $0xb8;
	[tilespmem:$0x4080] =	vst v63  }
0x37: {  	_ = 	snop  }
0x38: {  	[tilespmem:s12], [sflag:$0x1] =	stream.indirect_vreg.gather [hbm4b:s11+s3], $0x80, v4, vm0, $0xb8;
	[tilespmem:$0x4080] =	vst v63  }
0x39: {  	_ = 	snop  }
0x3a: {  	[tilespmem:s13], [sflag:$0x1] =	stream.indirect_vreg.gather [hbm4b:s1+s3], $0x80, v3, vm0, $0xb8;
	[tilespmem:$0x4080] =	vst v63  }
0x3b: {  	_ = 	snop  }
0x3c: {  	[tilespmem:s14], [sflag:$0x1] =	stream.indirect_vreg.gather [hbm4b:s7+s3], $0x80, v3, vm0, $0xb8;
	[tilespmem:$0x4080] =	vst v63  }
0x3d: {  	_ = 	snop  }
0x3e: {  	[tilespmem:s15], [sflag:$0x1] =	stream.indirect_vreg.gather [hbm4b:s9+s3], $0x80, v3, vm0, $0xb8;
	[tilespmem:$0x4080] =	vst v63  }
0x3f: {  	_ = 	snop  }
0x40: {  	[tilespmem:s16], [sflag:$0x1] =	stream.indirect_vreg.gather [hbm4b:s11+s3], $0x80, v3, vm0, $0xb8;
	[tilespmem:$0x4080] =	vst v63  }
0x41: {  	_ =	swait.ge [sflag:s17], $0x4000  }
.Ltmp1:
0x42: {  	[sflag:s17] =	ssyncset.done $0x0;
	(pc) =	sbr.rel @p0 .LBB2_1-.Ltmp1, $4  }
0x43: {  	[sflag:s17] =	ssyncadd.s32 $0xFFFFC000  }
0x44: {  	[hbm4b:s18+s3] =	stream.linear.scatter [tilespmem:s6], [sflag:$0x2], $0x4000, $0x38;
	[tilespmem:$0x4080] =	vst v63  }
0x45: {  	_ =	swait.ge [sflag:s4], $0x4000  }
0x46: {  	[sflag:s4] =	ssyncset.done $0x0  }
.LBB2_2:
0x47: {  	[sflag:s4] =	ssyncadd.s32 $0xFFFFC000  }
0x48: {  	_ =	sfence.sel $0x180000  }
0x49: {  	[bflag:$0x0] =	sbarrier.arrive $0xFFFF  }
0x4a: {  	p0 =	sne.s32 s0, $0x0;
	_ =	strace $0x90000047  }
0x4b: {  	s0 =	sadd.s32 @!p0 $0x100000, s2;
	[bflag:$0x2] =	sbarrier.arrive $0xFFFF  }
0x4c: {  	[sflag:s0] =	ssyncadd.tile.s32 @!p0 $0x1;
	_ =	shalt  }
.Lfunc_end2:
_tile_overlayer_lowered:
.L_overlay_start_2:
0x4d: {  	(tag) =	ssettag $0x2  }
0x4e: {  	s0 =	rddreg [dreg:$0x0];
	s2 =	stileid.u32  }
0x4f: {  	s1 =	rddreg [dreg:$0x1];
	p0 =	sne.s32 s2, $0x0  }
0x50: {  	s3 =	rddreg [dreg:$0x2];
	[bflag:$0x3] =	sbarrier.arrive $0xFFFF;
	s2 =	simm.s32 @!p0 $0x1C02  }
0x51: {  	[timem:s3], [sflag:s2] =	dma.local @!p0 [hbm:s0], s1  }
0x52: {  	s0 =	simm.s32 @!p0 $0x2  }
0x53: {  	_ =	swait.ge @!p0 [sflag:s0], s1  }
0x54: {  	s1 =	ssub.s32 @!p0 $0x0, s1;
	[sflag:s0] =	ssyncset.done @!p0 $0x0  }
0x55: {  	[sflag:s0] =	ssyncadd.s32 @!p0 s1  }
0x56: {  	[bflag:$0x3] =	sbarrier.arrive $0xFFFF  }
0x57: {  	_ =	shalt  }

</sc_bundles>
